<compile_context>
chip_gen: v7x
topology: tpu7x:2x2x1
jax: 0.10.2.dev20260603
libtpu: 0.0.44.dev20260713+nightly
codegen_flags: <defaults>
</compile_context>

<pallas_src>
import jax
import jax.numpy as jnp
from jax.experimental import pallas as pl
from jax.experimental.pallas import tpu as pltpu
from jax.experimental.pallas import tpu_sc as plsc

NUM_CODES = 8192
DIM = 32
ROWS_PER_BLOCK = 256
GATHER_WINDOW = 128


CHUNK = 128


def _vq_block_kernel(x_ref, w_ref, wt_ref, ids_ref, loss_ref, w2_ref):
    @pl.when(pl.program_id(0) == 0)
    def _():
        w = w_ref[...]
        w2_ref[0, :] = jnp.sum(w * w, axis=-1)

    R = x_ref.shape[0]
    x = x_ref[...]
    xm2 = x * -2.0
    x2b = jnp.sum(x * x, axis=-1, keepdims=True)

    best = jnp.full((R, CHUNK), jnp.inf, jnp.float32)
    bestchunk = jnp.zeros((R, CHUNK), jnp.int32)
    for c in range(NUM_CODES // CHUNK):
        wt_c = wt_ref[:, pl.ds(c * CHUNK, CHUNK)]
        mm_c = jax.lax.dot_general(xm2, wt_c, (((1,), (0,)), ((), ())),
                                   preferred_element_type=jnp.float32)
        d_c = (x2b + mm_c) + w2_ref[:, pl.ds(c * CHUNK, CHUNK)]
        upd = d_c < best
        best = jnp.where(upd, d_c, best)
        bestchunk = jnp.where(upd, c, bestchunk)

    lane = jax.lax.broadcasted_iota(jnp.int32, (R, CHUNK), 1)
    bid = bestchunk * CHUNK + lane
    m = jnp.min(best, axis=-1, keepdims=True)
    ids = jnp.min(jnp.where(best == m, bid, NUM_CODES), axis=-1,
                  keepdims=True)
    ids_ref[...] = ids
    loss_ref[...] = m * (1.0 / DIM)


def _distance_argmin(x, W):
    n = x.shape[0]
    R = ROWS_PER_BLOCK
    G = n // R
    ids3, loss3 = pl.pallas_call(
        _vq_block_kernel,
        grid=(G,),
        in_specs=[
            pl.BlockSpec((R, DIM), lambda i: (i, 0)),
            pl.BlockSpec((NUM_CODES, DIM), lambda i: (0, 0)),
            pl.BlockSpec((DIM, NUM_CODES), lambda i: (0, 0)),
        ],
        out_specs=[
            pl.BlockSpec((R, 1), lambda i: (i, 0)),
            pl.BlockSpec((R, 1), lambda i: (i, 0)),
        ],
        out_shape=[
            jax.ShapeDtypeStruct((n, 1), jnp.int32),
            jax.ShapeDtypeStruct((n, 1), jnp.float32),
        ],
        scratch_shapes=[pltpu.VMEM((1, NUM_CODES), jnp.float32)],
    )(x, W, W.T)
    return ids3.reshape(n), loss3.reshape(n)


GATHER_LANES = 128


def _sc_gather(Wp, ids_flat):
    n = ids_flat.shape[0]
    idx2 = ids_flat.reshape(1, n)
    mesh = plsc.VectorSubcoreMesh(core_axis_name="core",
                                  subcore_axis_name="subcore")

    @pl.kernel(out_type=jax.ShapeDtypeStruct((n, GATHER_LANES), Wp.dtype),
               mesh=mesh)
    def kern(w_hbm, i_hbm, o_hbm):
        def body(i_vmem, o_vmem):
            pltpu.sync_copy(w_hbm.at[i_vmem.at[0]], o_vmem)

        pltpu.emit_pipeline(
            body,
            grid=(n // GATHER_WINDOW,),
            in_specs=[pl.BlockSpec((1, GATHER_WINDOW),
                                   index_map=lambda i: (0, i))],
            out_specs=[pl.BlockSpec((GATHER_WINDOW, GATHER_LANES),
                                    index_map=lambda i: (i, 0))],
            core_axis_name=("core", "subcore"),
            dimension_semantics=(pltpu.PARALLEL,),
        )(i_hbm, o_hbm)

    return kern(Wp, idx2)


def kernel(inp, W):
    B, S, D = inp.shape
    n = B * S
    x = inp.reshape(n, D)
    ids_flat, loss_flat = _distance_argmin(x, W)
    Wp = jnp.pad(W, ((0, 0), (0, GATHER_LANES - D)))
    q = _sc_gather(Wp, ids_flat)[:, :DIM]
    ids = ids_flat.reshape(B, S)
    loss = loss_flat.reshape(B, S)
    quantized = q.reshape(B, S, D)
    losses = {'commitment': loss, 'codebook': loss}
    return (quantized, ids, losses)

# --- scband reference (transcript-rebuilt; emitter-appended) ---
"""Pipeline reference for scband-vqembedding-35802847380087 (READ-ONLY COPY).

The authoritative reference and input builder live on the scoring server;
editing this copy changes nothing except your own understanding.
"""

import jax, jax.numpy as jnp
import numpy as np

NUM_EMBEDDINGS = 8192
EMBEDDING_DIM = 32

def setup_inputs(seed: int = 0) -> dict:
    key = jax.random.key(seed)
    k1, k2 = jax.random.split(key)
    inp = jax.random.normal(k1, (16, 1024, 32), dtype=jnp.float32)
    # kaiming_uniform_ with mode='fan_out' on a [K, D] tensor: fan = K,
    # gain = sqrt(2) (default leaky_relu a=0), bound = gain * sqrt(3 / fan) = sqrt(6 / fan)
    bound = float(np.sqrt(6.0 / NUM_EMBEDDINGS))
    W = jax.random.uniform(k2, (NUM_EMBEDDINGS, EMBEDDING_DIM), dtype=jnp.float32, minval=-bound, maxval=bound)
    return {"inp": inp, "W": W}

def reference(inp, W):
    # axis == -1, so no transpose needed
    distances = (jnp.sum(inp ** 2, axis=-1, keepdims=True)
                 - 2.0 * jnp.matmul(inp, W.T)
                 + jnp.sum(W ** 2, axis=-1))
    ids = jnp.argmin(distances, axis=-1)
    quantized = jnp.take(W, ids, axis=0)
    losses = {
        'commitment': jnp.mean((jax.lax.stop_gradient(quantized) - inp) ** 2, axis=-1),
        'codebook': jnp.mean((quantized - jax.lax.stop_gradient(inp)) ** 2, axis=-1),
    }
    # straight-through estimator: quantized = (quantized - inp).detach() + inp
    quantized_st = jax.lax.stop_gradient(quantized - inp) + inp
    return (quantized_st, ids, losses)

if __name__ == "__main__":
    import jax
    _d = setup_inputs()
    print(jax.jit(kernel)(*tuple(_d.values())))

</pallas_src>

<mosaic_0001>
#map = affine_map<(d0, d1) -> (0, 0)>
module attributes {stable_mosaic.version = 14 : i64} {
  func.func @kern(%arg0: i32, %arg1: i32, %arg2: memref<8192x128xf32, #tpu.memory_space<hbm>>, %arg3: memref<1x16384xi32, #tpu.memory_space<hbm>>, %arg4: memref<16384x128xf32, #tpu.memory_space<hbm>>) attributes {dimension_semantics = [#tpu.dimension_semantics<core_parallel>, #tpu.dimension_semantics<subcore_parallel>], iteration_bounds = array<i64: 2, 16>, scalar_prefetch = 0 : i64, scratch_operands = 0 : i64, tpu.core_type = #tpu.core_type<sc_vector_subcore>, window_params = [{transform_indices = #map}, {transform_indices = #map}, {transform_indices = #map}]} {
    %mul3A = arith.constant 1 : i32
    %mul3A_0 = arith.muli %arg1, %mul3A : i32
    %add3A = arith.constant 0 : i32
    %add3A_1 = arith.addi %add3A, %mul3A_0 : i32
    %mul3A_2 = arith.constant 16 : i32
    %mul3A_3 = arith.muli %arg0, %mul3A_2 : i32
    %add3A_4 = arith.addi %add3A_1, %mul3A_3 : i32
    %mul3A_5 = arith.constant 4 : i32
    %mul3A_6 = arith.muli %add3A_4, %mul3A_5 : i32
    "tpu.region"() ({
      %run_scoped3A = memref.alloca() : memref<2x1x128xi32, #tpu.memory_space<vmem>>
      %run_scoped3A_7 = tpu.sem_alloc : memref<2x!tpu.dma_semaphore, #tpu.memory_space<semaphore_mem>>
      %run_scoped3A_8 = memref.alloca() : memref<2x128x128xf32, #tpu.memory_space<vmem>>
      %run_scoped3A_9 = tpu.sem_alloc : memref<2x!tpu.dma_semaphore, #tpu.memory_space<semaphore_mem>>
      %add3A_10 = arith.constant 0 : i32
      %add3A_11 = arith.addi %add3A_10, %mul3A_6 : i32
      %select_n3A = arith.constant true
      %select_n3A_12 = arith.constant 0 : i32
      %select_n3A_13 = arith.constant -1 : i32
      %select_n3A_14 = arith.select %select_n3A, %select_n3A_13, %select_n3A_12 : i32
      %eq3A = arith.constant -1 : i32
      %eq3A_15 = arith.cmpi eq, %select_n3A_14, %eq3A : i32
      %select_n3A_16 = arith.constant 3 : i32
      %select_n3A_17 = arith.select %eq3A_15, %select_n3A_16, %select_n3A_14 : i32
      %add3A_18 = arith.addi %select_n3A_17, %mul3A_6 : i32
      %select_n3A_19 = arith.constant true
      %select_n3A_20 = arith.constant 0 : i32
      %select_n3A_21 = arith.constant 1 : i32
      %select_n3A_22 = arith.select %select_n3A_19, %select_n3A_21, %select_n3A_20 : i32
      %eq3A_23 = arith.constant 4 : i32
      %eq3A_24 = arith.cmpi eq, %select_n3A_22, %eq3A_23 : i32
      %select_n3A_25 = arith.constant 0 : i32
      %select_n3A_26 = arith.select %eq3A_24, %select_n3A_25, %select_n3A_22 : i32
      %add3A_27 = arith.addi %select_n3A_26, %mul3A_6 : i32
      %add3A_28 = arith.constant 1 : i32
      %add3A_29 = arith.addi %select_n3A_26, %add3A_28 : i32
      %select_n3A_30 = arith.constant true
      %select_n3A_31 = arith.select %select_n3A_30, %add3A_29, %select_n3A_26 : i32
      %eq3A_32 = arith.constant 4 : i32
      %eq3A_33 = arith.cmpi eq, %select_n3A_31, %eq3A_32 : i32
      %select_n3A_34 = arith.constant 0 : i32
      %select_n3A_35 = arith.select %eq3A_33, %select_n3A_34, %select_n3A_31 : i32
      %add3A_36 = arith.addi %select_n3A_35, %mul3A_6 : i32
      "tpu.trace_start"() <{level = 10 : i32, message = "ep_initialize_0"}> : () -> ()
      %rem3A = arith.constant 0 : i32
      %rem3A_37 = arith.constant 2 : i32
      %rem3A_38 = arith.remui %rem3A, %rem3A_37 : i32
      %mul3A_39 = arith.constant 128 : i32
      %mul3A_40 = arith.muli %mul3A_39, %add3A_11 : i32
      %dma_start3A = arith.constant 0 : i32
      %dma_start3A_41 = arith.constant 0 : i32
      %dma_start3A_42 = tpu.memref_slice %run_scoped3A[%rem3A_38, %dma_start3A, %dma_start3A_41] : memref<2x1x128xi32, #tpu.memory_space<vmem>> -> memref<1x1x128xi32, #tpu.memory_space<vmem>>
      %dma_start3A_43 = tpu.memref_squeeze %dma_start3A_42 : memref<1x1x128xi32, #tpu.memory_space<vmem>> -> memref<1x128xi32, #tpu.memory_space<vmem>>
      %dma_start3A_44 = arith.constant 0 : i32
      %dma_start3A_45 = tpu.memref_slice %arg3[%dma_start3A_44, %mul3A_40] : memref<1x16384xi32, #tpu.memory_space<hbm>> -> memref<1x128xi32, #tpu.memory_space<hbm>>
      %dma_start3A_46 = tpu.memref_slice %run_scoped3A_7[%rem3A_38] : memref<2x!tpu.dma_semaphore, #tpu.memory_space<semaphore_mem>> -> memref<1x!tpu.dma_semaphore, #tpu.memory_space<semaphore_mem>>
      %dma_start3A_47 = tpu.memref_squeeze %dma_start3A_46 : memref<1x!tpu.dma_semaphore, #tpu.memory_space<semaphore_mem>> -> memref<!tpu.dma_semaphore, #tpu.memory_space<semaphore_mem>>
      %dma_start3A_48 = arith.constant 0 : i32
      %dma_start3A_49 = arith.constant 0 : i32
      %dma_start3A_50 = tpu.memref_slice %run_scoped3A[%rem3A_38, %dma_start3A_48, %dma_start3A_49] : memref<2x1x128xi32, #tpu.memory_space<vmem>> -> memref<1x1x128xi32, #tpu.memory_space<vmem>>
      %dma_start3A_51 = tpu.memref_squeeze %dma_start3A_50 : memref<1x1x128xi32, #tpu.memory_space<vmem>> -> memref<1x128xi32, #tpu.memory_space<vmem>>
      %dma_start3A_52 = arith.constant 0 : i32
      %dma_start3A_53 = tpu.memref_slice %arg3[%dma_start3A_52, %mul3A_40] : memref<1x16384xi32, #tpu.memory_space<hbm>> -> memref<1x128xi32, #tpu.memory_space<hbm>>
      tpu.enqueue_dma source(%dma_start3A_53 : memref<1x128xi32, #tpu.memory_space<hbm>>) target(%dma_start3A_51 : memref<1x128xi32, #tpu.memory_space<vmem>>) target_semaphore(%dma_start3A_47 : memref<!tpu.dma_semaphore, #tpu.memory_space<semaphore_mem>>)
      %add3A_54 = arith.constant 0 : i32
      %add3A_55 = arith.constant 1 : i32
      %add3A_56 = arith.addi %add3A_54, %add3A_55 : i32
      %select_n3A_57 = arith.constant true
      %select_n3A_58 = arith.constant 0 : i32
      %select_n3A_59 = arith.select %select_n3A_57, %add3A_56, %select_n3A_58 : i32
      "tpu.trace_stop"() : () -> ()
      %scan3A = arith.constant 0 : i32
      %scan3A_60 = arith.constant 0 : i32
      %scan3A_61 = arith.constant 0 : i32
      %scan3A_62 = arith.constant 0 : i32
      %scan3A_63 = arith.constant 0 : i32
      %scan3A_64 = arith.constant 4 : i32
      %scan3A_65 = arith.addi %scan3A_63, %scan3A_64 : i32
      %scan3A_66 = arith.constant 1 : i32
      %scan3A_67:5 = scf.for %scan3A_121 = %scan3A_63 to %scan3A_65 step %scan3A_66 iter_args(%scan3A_122 = %select_n3A_59, %scan3A_123 = %scan3A, %scan3A_124 = %scan3A_60, %scan3A_125 = %scan3A_61, %scan3A_126 = %scan3A_62) -> (i32, i32, i32, i32, i32)  : i32 {
        %eq3A_127 = arith.constant 0 : i32
        %eq3A_128 = arith.cmpi eq, %scan3A_121, %eq3A_127 : i32
        %eq3A_129 = arith.constant 3 : i32
        %eq3A_130 = arith.cmpi eq, %scan3A_121, %eq3A_129 : i32
        %add3A_131 = arith.addi %scan3A_126, %mul3A_6 : i32
        %sub3A_132 = arith.constant 1 : i32
        %sub3A_133 = arith.subi %scan3A_126, %sub3A_132 : i32
        %select_n3A_134 = arith.constant true
        %select_n3A_135 = arith.select %select_n3A_134, %sub3A_133, %scan3A_126 : i32
        %eq3A_136 = arith.constant -1 : i32
        %eq3A_137 = arith.cmpi eq, %select_n3A_135, %eq3A_136 : i32
        %select_n3A_138 = arith.constant 3 : i32
        %select_n3A_139 = arith.select %eq3A_137, %select_n3A_138, %select_n3A_135 : i32
        %add3A_140 = arith.addi %select_n3A_139, %mul3A_6 : i32
        %add3A_141 = arith.constant 1 : i32
        %add3A_142 = arith.addi %scan3A_126, %add3A_141 : i32
        %select_n3A_143 = arith.constant true
        %select_n3A_144 = arith.select %select_n3A_143, %add3A_142, %scan3A_126 : i32
        %eq3A_145 = arith.constant 4 : i32
        %eq3A_146 = arith.cmpi eq, %select_n3A_144, %eq3A_145 : i32
        %select_n3A_147 = arith.constant 0 : i32
        %select_n3A_148 = arith.select %eq3A_146, %select_n3A_147, %select_n3A_144 : i32
        %add3A_149 = arith.addi %select_n3A_148, %mul3A_6 : i32
        %add3A_150 = arith.constant 1 : i32
        %add3A_151 = arith.addi %select_n3A_148, %add3A_150 : i32
        %select_n3A_152 = arith.constant true
        %select_n3A_153 = arith.select %select_n3A_152, %add3A_151, %select_n3A_148 : i32
        %eq3A_154 = arith.constant 4 : i32
        %eq3A_155 = arith.cmpi eq, %select_n3A_153, %eq3A_154 : i32
        %select_n3A_156 = arith.constant 0 : i32
        %select_n3A_157 = arith.select %eq3A_155, %select_n3A_156, %select_n3A_153 : i32
        %add3A_158 = arith.addi %select_n3A_157, %mul3A_6 : i32
        %ne3A = arith.cmpi ne, %add3A_131, %add3A_149 : i32
        %or3A = arith.constant false
        %or3A_159 = arith.ori %or3A, %ne3A : i1
        %ge3A = arith.constant 3 : i32
        %ge3A_160 = arith.cmpi sge, %scan3A_121, %ge3A : i32
        %not3A = arith.constant true
        %not3A_161 = arith.xori %ge3A_160, %not3A : i1
        %and3A = arith.andi %or3A_159, %not3A_161 : i1
        %convert_element_type3A = arith.extui %and3A : i1 to i32
        %cond3A = arith.constant 0 : i32
        %cond3A_162 = arith.cmpi ne, %convert_element_type3A, %cond3A : i32
        scf.if %cond3A_162 {
          "tpu.trace_start"() <{level = 10 : i32, message = "ep_copy_in"}> : () -> ()
          %rem3A_264 = arith.constant 2 : i32
          %rem3A_265 = arith.remui %scan3A_122, %rem3A_264 : i32
          %mul3A_266 = arith.constant 128 : i32
          %mul3A_267 = arith.muli %mul3A_266, %add3A_149 : i32
          %dma_start3A_268 = arith.constant 0 : i32
          %dma_start3A_269 = arith.constant 0 : i32
          %dma_start3A_270 = tpu.memref_slice %run_scoped3A[%rem3A_265, %dma_start3A_268, %dma_start3A_269] : memref<2x1x128xi32, #tpu.memory_space<vmem>> -> memref<1x1x128xi32, #tpu.memory_space<vmem>>
          %dma_start3A_271 = tpu.memref_squeeze %dma_start3A_270 : memref<1x1x128xi32, #tpu.memory_space<vmem>> -> memref<1x128xi32, #tpu.memory_space<vmem>>
          %dma_start3A_272 = arith.constant 0 : i32
          %dma_start3A_273 = tpu.memref_slice %arg3[%dma_start3A_272, %mul3A_267] : memref<1x16384xi32, #tpu.memory_space<hbm>> -> memref<1x128xi32, #tpu.memory_space<hbm>>
          %dma_start3A_274 = tpu.memref_slice %run_scoped3A_7[%rem3A_265] : memref<2x!tpu.dma_semaphore, #tpu.memory_space<semaphore_mem>> -> memref<1x!tpu.dma_semaphore, #tpu.memory_space<semaphore_mem>>
          %dma_start3A_275 = tpu.memref_squeeze %dma_start3A_274 : memref<1x!tpu.dma_semaphore, #tpu.memory_space<semaphore_mem>> -> memref<!tpu.dma_semaphore, #tpu.memory_space<semaphore_mem>>
          %dma_start3A_276 = arith.constant 0 : i32
          %dma_start3A_277 = arith.constant 0 : i32
          %dma_start3A_278 = tpu.memref_slice %run_scoped3A[%rem3A_265, %dma_start3A_276, %dma_start3A_277] : memref<2x1x128xi32, #tpu.memory_space<vmem>> -> memref<1x1x128xi32, #tpu.memory_space<vmem>>
          %dma_start3A_279 = tpu.memref_squeeze %dma_start3A_278 : memref<1x1x128xi32, #tpu.memory_space<vmem>> -> memref<1x128xi32, #tpu.memory_space<vmem>>
          %dma_start3A_280 = arith.constant 0 : i32
          %dma_start3A_281 = tpu.memref_slice %arg3[%dma_start3A_280, %mul3A_267] : memref<1x16384xi32, #tpu.memory_space<hbm>> -> memref<1x128xi32, #tpu.memory_space<hbm>>
          tpu.enqueue_dma source(%dma_start3A_281 : memref<1x128xi32, #tpu.memory_space<hbm>>) target(%dma_start3A_279 : memref<1x128xi32, #tpu.memory_space<vmem>>) target_semaphore(%dma_start3A_275 : memref<!tpu.dma_semaphore, #tpu.memory_space<semaphore_mem>>)
          "tpu.trace_stop"() : () -> ()
        } else {
        }
        %and3A_163 = arith.constant true
        %and3A_164 = arith.andi %and3A, %and3A_163 : i1
        %add3A_165 = arith.constant 1 : i32
        %add3A_166 = arith.addi %scan3A_122, %add3A_165 : i32
        %select_n3A_167 = arith.select %and3A_164, %add3A_166, %scan3A_122 : i32
        %ne3A_168 = arith.cmpi ne, %add3A_131, %add3A_149 : i32
        %or3A_169 = arith.constant false
        %or3A_170 = arith.ori %or3A_169, %ne3A_168 : i1
        %or3A_171 = arith.constant false
        %or3A_172 = arith.ori %or3A_170, %or3A_171 : i1
        %ge3A_173 = arith.constant 3 : i32
        %ge3A_174 = arith.cmpi sge, %scan3A_121, %ge3A_173 : i32
        %not3A_175 = arith.constant true
        %not3A_176 = arith.xori %ge3A_174, %not3A_175 : i1
        %and3A_177 = arith.andi %or3A_172, %not3A_176 : i1
        %ne3A_178 = arith.cmpi ne, %add3A_131, %add3A_140 : i32
        %or3A_179 = arith.constant false
        %or3A_180 = arith.ori %or3A_179, %ne3A_178 : i1
        %or3A_181 = arith.ori %or3A_180, %eq3A_128 : i1
        %convert_element_type3A_182 = arith.extui %or3A_181 : i1 to i32
        %cond3A_183 = arith.constant 0 : i32
        %cond3A_184 = arith.cmpi ne, %convert_element_type3A_182, %cond3A_183 : i32
        scf.if %cond3A_184 {
          "tpu.trace_start"() <{level = 10 : i32, message = "ep_wait_in"}> : () -> ()
          %mul3A_264 = arith.constant 128 : i32
          %mul3A_265 = arith.muli %mul3A_264, %add3A_131 : i32
          %rem3A_266 = arith.constant 2 : i32
          %rem3A_267 = arith.remui %scan3A_123, %rem3A_266 : i32
          %dma_wait3A_268 = arith.constant 0 : i32
          %dma_wait3A_269 = arith.constant 0 : i32
          %dma_wait3A_270 = tpu.memref_slice %run_scoped3A[%rem3A_267, %dma_wait3A_268, %dma_wait3A_269] : memref<2x1x128xi32, #tpu.memory_space<vmem>> -> memref<1x1x128xi32, #tpu.memory_space<vmem>>
          %dma_wait3A_271 = tpu.memref_squeeze %dma_wait3A_270 : memref<1x1x128xi32, #tpu.memory_space<vmem>> -> memref<1x128xi32, #tpu.memory_space<vmem>>
          %dma_wait3A_272 = arith.constant 0 : i32
          %dma_wait3A_273 = tpu.memref_slice %arg3[%dma_wait3A_272, %mul3A_265] : memref<1x16384xi32, #tpu.memory_space<hbm>> -> memref<1x128xi32, #tpu.memory_space<hbm>>
          %dma_wait3A_274 = tpu.memref_slice %run_scoped3A_7[%rem3A_267] : memref<2x!tpu.dma_semaphore, #tpu.memory_space<semaphore_mem>> -> memref<1x!tpu.dma_semaphore, #tpu.memory_space<semaphore_mem>>
          %dma_wait3A_275 = tpu.memref_squeeze %dma_wait3A_274 : memref<1x!tpu.dma_semaphore, #tpu.memory_space<semaphore_mem>> -> memref<!tpu.dma_semaphore, #tpu.memory_space<semaphore_mem>>
          %dma_wait3A_276 = arith.constant 0 : i32
          %dma_wait3A_277 = arith.constant 0 : i32
          %dma_wait3A_278 = tpu.memref_slice %run_scoped3A[%rem3A_267, %dma_wait3A_276, %dma_wait3A_277] : memref<2x1x128xi32, #tpu.memory_space<vmem>> -> memref<1x1x128xi32, #tpu.memory_space<vmem>>
          %dma_wait3A_279 = tpu.memref_squeeze %dma_wait3A_278 : memref<1x1x128xi32, #tpu.memory_space<vmem>> -> memref<1x128xi32, #tpu.memory_space<vmem>>
          %dma_wait3A_280 = arith.constant 0 : i32
          %dma_wait3A_281 = tpu.memref_slice %arg3[%dma_wait3A_280, %mul3A_265] : memref<1x16384xi32, #tpu.memory_space<hbm>> -> memref<1x128xi32, #tpu.memory_space<hbm>>
          tpu.wait_dma2 semaphore(%dma_wait3A_275 : memref<!tpu.dma_semaphore, #tpu.memory_space<semaphore_mem>>) src(%dma_wait3A_281 : memref<1x128xi32, #tpu.memory_space<hbm>>) dst(%dma_wait3A_279 : memref<1x128xi32, #tpu.memory_space<vmem>>)
          "tpu.trace_stop"() : () -> ()
        } else {
        }
        %ne3A_185 = arith.cmpi ne, %add3A_131, %add3A_140 : i32
        %or3A_186 = arith.constant false
        %or3A_187 = arith.ori %or3A_186, %ne3A_185 : i1
        %or3A_188 = arith.constant false
        %or3A_189 = arith.ori %or3A_187, %or3A_188 : i1
        %or3A_190 = arith.ori %or3A_189, %eq3A_128 : i1
        %convert_element_type3A_191 = arith.extui %or3A_190 : i1 to i32
        %cond3A_192 = arith.constant 0 : i32
        %cond3A_193 = arith.cmpi ne, %convert_element_type3A_191, %cond3A_192 : i32
        scf.if %cond3A_193 {
        } else {
        }
        %rem3A_194 = arith.constant 2 : i32
        %rem3A_195 = arith.remui %scan3A_123, %rem3A_194 : i32
        %rem3A_196 = arith.constant 2 : i32
        %rem3A_197 = arith.remui %scan3A_124, %rem3A_196 : i32
        %run_scoped3A_198 = arith.constant 0 : i32
        "tpu.trace_start"() <{level = 10 : i32, message = "ep_run_kernel"}> : () -> ()
        "tpu.region"() ({
          %run_scoped3A_264 = tpu.sem_alloc : memref<!tpu.dma_semaphore, #tpu.memory_space<semaphore_mem>>
          %dma_start3A_265 = arith.constant 0 : i32
          %dma_start3A_266 = arith.constant 0 : i32
          %dma_start3A_267 = tpu.memref_slice %run_scoped3A_8[%rem3A_197, %dma_start3A_265, %dma_start3A_266] : memref<2x128x128xf32, #tpu.memory_space<vmem>> -> memref<1x128x128xf32, #tpu.memory_space<vmem>>
          %dma_start3A_268 = tpu.memref_squeeze %dma_start3A_267 : memref<1x128x128xf32, #tpu.memory_space<vmem>> -> memref<128x128xf32, #tpu.memory_space<vmem>>
          %dma_start3A_269 = arith.constant 0 : i32
          %dma_start3A_270 = arith.constant 0 : i32
          %dma_start3A_271 = tpu.memref_slice %run_scoped3A[%rem3A_195, %dma_start3A_269, %dma_start3A_270] : memref<2x1x128xi32, #tpu.memory_space<vmem>> -> memref<1x1x128xi32, #tpu.memory_space<vmem>>
          %dma_start3A_272 = tpu.memref_squeeze %dma_start3A_271 : memref<1x1x128xi32, #tpu.memory_space<vmem>> -> memref<1x128xi32, #tpu.memory_space<vmem>>
          %dma_start3A_273 = arith.constant 0 : i32
          %dma_start3A_274 = tpu.memref_slice %dma_start3A_272[%run_scoped3A_198, %dma_start3A_273] : memref<1x128xi32, #tpu.memory_space<vmem>> -> memref<1x128xi32, #tpu.memory_space<vmem>>
          %dma_start3A_275 = tpu.memref_squeeze %dma_start3A_274 : memref<1x128xi32, #tpu.memory_space<vmem>> -> memref<128xi32, #tpu.memory_space<vmem>>
          %dma_start3A_276 = arith.constant 0 : i32
          %dma_start3A_277 = arith.constant 0 : i32
          %dma_start3A_278 = tpu.memref_slice %arg2[%dma_start3A_276, %dma_start3A_277] : memref<8192x128xf32, #tpu.memory_space<hbm>> -> memref<8192x128xf32, #tpu.memory_space<hbm>>
          tpu.enqueue_indirect_dma source(%dma_start3A_278 : memref<8192x128xf32, #tpu.memory_space<hbm>>) target(%dma_start3A_268 : memref<128x128xf32, #tpu.memory_space<vmem>>) offsets(%dma_start3A_275 : memref<128xi32, #tpu.memory_space<vmem>>) semaphore(%run_scoped3A_264 : memref<!tpu.dma_semaphore, #tpu.memory_space<semaphore_mem>>)
          %dma_wait3A_279 = arith.constant 0 : i32
          %dma_wait3A_280 = arith.constant 0 : i32
          %dma_wait3A_281 = tpu.memref_slice %run_scoped3A_8[%rem3A_197, %dma_wait3A_279, %dma_wait3A_280] : memref<2x128x128xf32, #tpu.memory_space<vmem>> -> memref<1x128x128xf32, #tpu.memory_space<vmem>>
          %dma_wait3A_282 = tpu.memref_squeeze %dma_wait3A_281 : memref<1x128x128xf32, #tpu.memory_space<vmem>> -> memref<128x128xf32, #tpu.memory_space<vmem>>
          %dma_wait3A_283 = arith.constant 0 : i32
          %dma_wait3A_284 = arith.constant 0 : i32
          %dma_wait3A_285 = tpu.memref_slice %run_scoped3A[%rem3A_195, %dma_wait3A_283, %dma_wait3A_284] : memref<2x1x128xi32, #tpu.memory_space<vmem>> -> memref<1x1x128xi32, #tpu.memory_space<vmem>>
          %dma_wait3A_286 = tpu.memref_squeeze %dma_wait3A_285 : memref<1x1x128xi32, #tpu.memory_space<vmem>> -> memref<1x128xi32, #tpu.memory_space<vmem>>
          %dma_wait3A_287 = arith.constant 0 : i32
          %dma_wait3A_288 = tpu.memref_slice %dma_wait3A_286[%run_scoped3A_198, %dma_wait3A_287] : memref<1x128xi32, #tpu.memory_space<vmem>> -> memref<1x128xi32, #tpu.memory_space<vmem>>
          %dma_wait3A_289 = tpu.memref_squeeze %dma_wait3A_288 : memref<1x128xi32, #tpu.memory_space<vmem>> -> memref<128xi32, #tpu.memory_space<vmem>>
          %dma_wait3A_290 = arith.constant 0 : i32
          %dma_wait3A_291 = arith.constant 0 : i32
          %dma_wait3A_292 = tpu.memref_slice %arg2[%dma_wait3A_290, %dma_wait3A_291] : memref<8192x128xf32, #tpu.memory_space<hbm>> -> memref<8192x128xf32, #tpu.memory_space<hbm>>
          tpu.wait_indirect_dma semaphore(%run_scoped3A_264 : memref<!tpu.dma_semaphore, #tpu.memory_space<semaphore_mem>>) src(%dma_wait3A_292 : memref<8192x128xf32, #tpu.memory_space<hbm>>) dst(%dma_wait3A_282 : memref<128x128xf32, #tpu.memory_space<vmem>>)
          tpu.yield
        }) : () -> ()
        "tpu.trace_stop"() : () -> ()
        %ne3A_199 = arith.cmpi ne, %add3A_131, %add3A_149 : i32
        %or3A_200 = arith.constant false
        %or3A_201 = arith.ori %or3A_200, %ne3A_199 : i1
        %or3A_202 = arith.ori %or3A_201, %eq3A_130 : i1
        %convert_element_type3A_203 = arith.extui %or3A_202 : i1 to i32
        %cond3A_204 = arith.constant 0 : i32
        %cond3A_205 = arith.cmpi ne, %convert_element_type3A_203, %cond3A_204 : i32
        scf.if %cond3A_205 {
        } else {
        }
        %and3A_206 = arith.constant false
        %and3A_207 = arith.andi %or3A_202, %and3A_206 : i1
        %ne3A_208 = arith.cmpi ne, %add3A_131, %add3A_149 : i32
        %or3A_209 = arith.constant false
        %or3A_210 = arith.ori %or3A_209, %ne3A_208 : i1
        %or3A_211 = arith.constant false
        %or3A_212 = arith.ori %or3A_210, %or3A_211 : i1
        %or3A_213 = arith.ori %or3A_212, %eq3A_130 : i1
        %convert_element_type3A_214 = arith.extui %or3A_213 : i1 to i32
        %cond3A_215 = arith.constant 0 : i32
        %cond3A_216 = arith.cmpi ne, %convert_element_type3A_214, %cond3A_215 : i32
        scf.if %cond3A_216 {
          "tpu.trace_start"() <{level = 10 : i32, message = "ep_copy_out"}> : () -> ()
          %rem3A_264 = arith.constant 2 : i32
          %rem3A_265 = arith.remui %scan3A_124, %rem3A_264 : i32
          %mul3A_266 = arith.constant 128 : i32
          %mul3A_267 = arith.muli %mul3A_266, %add3A_131 : i32
          %dma_start3A_268 = arith.constant 0 : i32
          %dma_start3A_269 = arith.constant 0 : i32
          %dma_start3A_270 = tpu.memref_slice %run_scoped3A_8[%rem3A_265, %dma_start3A_268, %dma_start3A_269] : memref<2x128x128xf32, #tpu.memory_space<vmem>> -> memref<1x128x128xf32, #tpu.memory_space<vmem>>
          %dma_start3A_271 = tpu.memref_squeeze %dma_start3A_270 : memref<1x128x128xf32, #tpu.memory_space<vmem>> -> memref<128x128xf32, #tpu.memory_space<vmem>>
          %dma_start3A_272 = arith.constant 0 : i32
          %dma_start3A_273 = tpu.memref_slice %arg4[%mul3A_267, %dma_start3A_272] : memref<16384x128xf32, #tpu.memory_space<hbm>> -> memref<128x128xf32, #tpu.memory_space<hbm>>
          %dma_start3A_274 = tpu.memref_slice %run_scoped3A_9[%rem3A_265] : memref<2x!tpu.dma_semaphore, #tpu.memory_space<semaphore_mem>> -> memref<1x!tpu.dma_semaphore, #tpu.memory_space<semaphore_mem>>
          %dma_start3A_275 = tpu.memref_squeeze %dma_start3A_274 : memref<1x!tpu.dma_semaphore, #tpu.memory_space<semaphore_mem>> -> memref<!tpu.dma_semaphore, #tpu.memory_space<semaphore_mem>>
          %dma_start3A_276 = arith.constant 0 : i32
          %dma_start3A_277 = tpu.memref_slice %arg4[%mul3A_267, %dma_start3A_276] : memref<16384x128xf32, #tpu.memory_space<hbm>> -> memref<128x128xf32, #tpu.memory_space<hbm>>
          %dma_start3A_278 = arith.constant 0 : i32
          %dma_start3A_279 = arith.constant 0 : i32
          %dma_start3A_280 = tpu.memref_slice %run_scoped3A_8[%rem3A_265, %dma_start3A_278, %dma_start3A_279] : memref<2x128x128xf32, #tpu.memory_space<vmem>> -> memref<1x128x128xf32, #tpu.memory_space<vmem>>
          %dma_start3A_281 = tpu.memref_squeeze %dma_start3A_280 : memref<1x128x128xf32, #tpu.memory_space<vmem>> -> memref<128x128xf32, #tpu.memory_space<vmem>>
          tpu.enqueue_dma source(%dma_start3A_281 : memref<128x128xf32, #tpu.memory_space<vmem>>) target(%dma_start3A_277 : memref<128x128xf32, #tpu.memory_space<hbm>>) target_semaphore(%dma_start3A_275 : memref<!tpu.dma_semaphore, #tpu.memory_space<semaphore_mem>>)
          "tpu.trace_stop"() : () -> ()
        } else {
        }
        %and3A_217 = arith.constant true
        %and3A_218 = arith.andi %or3A_213, %and3A_217 : i1
        %add3A_219 = arith.constant 1 : i32
        %add3A_220 = arith.addi %scan3A_124, %add3A_219 : i32
        %select_n3A_221 = arith.select %and3A_218, %add3A_220, %scan3A_124 : i32
        %ne3A_222 = arith.cmpi ne, %add3A_131, %add3A_140 : i32
        %or3A_223 = arith.constant false
        %or3A_224 = arith.ori %or3A_223, %ne3A_222 : i1
        %not3A_225 = arith.constant true
        %not3A_226 = arith.xori %eq3A_128, %not3A_225 : i1
        %and3A_227 = arith.andi %or3A_224, %not3A_226 : i1
        %convert_element_type3A_228 = arith.extui %and3A_227 : i1 to i32
        %cond3A_229 = arith.constant 0 : i32
        %cond3A_230 = arith.cmpi ne, %convert_element_type3A_228, %cond3A_229 : i32
        scf.if %cond3A_230 {
        } else {
        }
        %and3A_231 = arith.constant false
        %and3A_232 = arith.andi %and3A_227, %and3A_231 : i1
        %ne3A_233 = arith.cmpi ne, %add3A_131, %add3A_140 : i32
        %or3A_234 = arith.constant false
        %or3A_235 = arith.ori %or3A_234, %ne3A_233 : i1
        %or3A_236 = arith.constant false
        %or3A_237 = arith.ori %or3A_235, %or3A_236 : i1
        %not3A_238 = arith.constant true
        %not3A_239 = arith.xori %eq3A_128, %not3A_238 : i1
        %and3A_240 = arith.andi %or3A_237, %not3A_239 : i1
        %convert_element_type3A_241 = arith.extui %and3A_240 : i1 to i32
        %cond3A_242 = arith.constant 0 : i32
        %cond3A_243 = arith.cmpi ne, %convert_element_type3A_241, %cond3A_242 : i32
        scf.if %cond3A_243 {
          "tpu.trace_start"() <{level = 10 : i32, message = "ep_wait_out"}> : () -> ()
          %rem3A_264 = arith.constant 2 : i32
          %rem3A_265 = arith.remui %scan3A_125, %rem3A_264 : i32
          %mul3A_266 = arith.constant 128 : i32
          %mul3A_267 = arith.muli %mul3A_266, %add3A_140 : i32
          %dma_wait3A_268 = arith.constant 0 : i32
          %dma_wait3A_269 = arith.constant 0 : i32
          %dma_wait3A_270 = tpu.memref_slice %run_scoped3A_8[%rem3A_265, %dma_wait3A_268, %dma_wait3A_269] : memref<2x128x128xf32, #tpu.memory_space<vmem>> -> memref<1x128x128xf32, #tpu.memory_space<vmem>>
          %dma_wait3A_271 = tpu.memref_squeeze %dma_wait3A_270 : memref<1x128x128xf32, #tpu.memory_space<vmem>> -> memref<128x128xf32, #tpu.memory_space<vmem>>
          %dma_wait3A_272 = arith.constant 0 : i32
          %dma_wait3A_273 = tpu.memref_slice %arg4[%mul3A_267, %dma_wait3A_272] : memref<16384x128xf32, #tpu.memory_space<hbm>> -> memref<128x128xf32, #tpu.memory_space<hbm>>
          %dma_wait3A_274 = tpu.memref_slice %run_scoped3A_9[%rem3A_265] : memref<2x!tpu.dma_semaphore, #tpu.memory_space<semaphore_mem>> -> memref<1x!tpu.dma_semaphore, #tpu.memory_space<semaphore_mem>>
          %dma_wait3A_275 = tpu.memref_squeeze %dma_wait3A_274 : memref<1x!tpu.dma_semaphore, #tpu.memory_space<semaphore_mem>> -> memref<!tpu.dma_semaphore, #tpu.memory_space<semaphore_mem>>
          %dma_wait3A_276 = arith.constant 0 : i32
          %dma_wait3A_277 = tpu.memref_slice %arg4[%mul3A_267, %dma_wait3A_276] : memref<16384x128xf32, #tpu.memory_space<hbm>> -> memref<128x128xf32, #tpu.memory_space<hbm>>
          %dma_wait3A_278 = arith.constant 0 : i32
          %dma_wait3A_279 = arith.constant 0 : i32
          %dma_wait3A_280 = tpu.memref_slice %run_scoped3A_8[%rem3A_265, %dma_wait3A_278, %dma_wait3A_279] : memref<2x128x128xf32, #tpu.memory_space<vmem>> -> memref<1x128x128xf32, #tpu.memory_space<vmem>>
          %dma_wait3A_281 = tpu.memref_squeeze %dma_wait3A_280 : memref<1x128x128xf32, #tpu.memory_space<vmem>> -> memref<128x128xf32, #tpu.memory_space<vmem>>
          tpu.wait_dma2 semaphore(%dma_wait3A_275 : memref<!tpu.dma_semaphore, #tpu.memory_space<semaphore_mem>>) src(%dma_wait3A_281 : memref<128x128xf32, #tpu.memory_space<vmem>>) dst(%dma_wait3A_277 : memref<128x128xf32, #tpu.memory_space<hbm>>)
          "tpu.trace_stop"() : () -> ()
        } else {
        }
        %and3A_244 = arith.constant true
        %and3A_245 = arith.andi %and3A_240, %and3A_244 : i1
        %add3A_246 = arith.constant 1 : i32
        %add3A_247 = arith.addi %scan3A_125, %add3A_246 : i32
        %select_n3A_248 = arith.select %and3A_245, %add3A_247, %scan3A_125 : i32
        %ne3A_249 = arith.cmpi ne, %add3A_131, %add3A_149 : i32
        %or3A_250 = arith.constant false
        %or3A_251 = arith.ori %or3A_250, %ne3A_249 : i1
        %or3A_252 = arith.ori %or3A_251, %eq3A_130 : i1
        %add3A_253 = arith.constant 1 : i32
        %add3A_254 = arith.addi %scan3A_123, %add3A_253 : i32
        %select_n3A_255 = arith.select %or3A_252, %add3A_254, %scan3A_123 : i32
        %add3A_256 = arith.constant 1 : i32
        %add3A_257 = arith.addi %scan3A_126, %add3A_256 : i32
        %select_n3A_258 = arith.constant true
        %select_n3A_259 = arith.select %select_n3A_258, %add3A_257, %scan3A_126 : i32
        %eq3A_260 = arith.constant 4 : i32
        %eq3A_261 = arith.cmpi eq, %select_n3A_259, %eq3A_260 : i32
        %select_n3A_262 = arith.constant 0 : i32
        %select_n3A_263 = arith.select %eq3A_261, %select_n3A_262, %select_n3A_259 : i32
        scf.yield %select_n3A_167, %select_n3A_255, %select_n3A_221, %select_n3A_248, %select_n3A_263 : i32, i32, i32, i32, i32
      }
      %scan3A_68 = arith.constant 4 : i32
      %sub3A = arith.constant 1 : i32
      %sub3A_69 = arith.subi %scan3A_67#4, %sub3A : i32
      %select_n3A_70 = arith.constant true
      %select_n3A_71 = arith.select %select_n3A_70, %sub3A_69, %scan3A_67#4 : i32
      %eq3A_72 = arith.constant -1 : i32
      %eq3A_73 = arith.cmpi eq, %select_n3A_71, %eq3A_72 : i32
      %select_n3A_74 = arith.constant 3 : i32
      %select_n3A_75 = arith.select %eq3A_73, %select_n3A_74, %select_n3A_71 : i32
      %add3A_76 = arith.addi %select_n3A_75, %mul3A_6 : i32
      %sub3A_77 = arith.constant 1 : i32
      %sub3A_78 = arith.subi %select_n3A_75, %sub3A_77 : i32
      %select_n3A_79 = arith.constant true
      %select_n3A_80 = arith.select %select_n3A_79, %sub3A_78, %select_n3A_75 : i32
      %eq3A_81 = arith.constant -1 : i32
      %eq3A_82 = arith.cmpi eq, %select_n3A_80, %eq3A_81 : i32
      %select_n3A_83 = arith.constant 3 : i32
      %select_n3A_84 = arith.select %eq3A_82, %select_n3A_83, %select_n3A_80 : i32
      %add3A_85 = arith.addi %select_n3A_84, %mul3A_6 : i32
      %add3A_86 = arith.constant 1 : i32
      %add3A_87 = arith.addi %select_n3A_75, %add3A_86 : i32
      %select_n3A_88 = arith.constant true
      %select_n3A_89 = arith.select %select_n3A_88, %add3A_87, %select_n3A_75 : i32
      %eq3A_90 = arith.constant 4 : i32
      %eq3A_91 = arith.cmpi eq, %select_n3A_89, %eq3A_90 : i32
      %select_n3A_92 = arith.constant 0 : i32
      %select_n3A_93 = arith.select %eq3A_91, %select_n3A_92, %select_n3A_89 : i32
      %add3A_94 = arith.addi %select_n3A_93, %mul3A_6 : i32
      %add3A_95 = arith.constant 1 : i32
      %add3A_96 = arith.addi %select_n3A_93, %add3A_95 : i32
      %select_n3A_97 = arith.constant true
      %select_n3A_98 = arith.select %select_n3A_97, %add3A_96, %select_n3A_93 : i32
      %eq3A_99 = arith.constant 4 : i32
      %eq3A_100 = arith.cmpi eq, %select_n3A_98, %eq3A_99 : i32
      %select_n3A_101 = arith.constant 0 : i32
      %select_n3A_102 = arith.select %eq3A_100, %select_n3A_101, %select_n3A_98 : i32
      %add3A_103 = arith.addi %select_n3A_102, %mul3A_6 : i32
      "tpu.trace_start"() <{level = 10 : i32, message = "ep_finalize"}> : () -> ()
      %rem3A_104 = arith.constant 2 : i32
      %rem3A_105 = arith.remui %scan3A_67#3, %rem3A_104 : i32
      %mul3A_106 = arith.constant 128 : i32
      %mul3A_107 = arith.muli %mul3A_106, %add3A_76 : i32
      %dma_wait3A = arith.constant 0 : i32
      %dma_wait3A_108 = arith.constant 0 : i32
      %dma_wait3A_109 = tpu.memref_slice %run_scoped3A_8[%rem3A_105, %dma_wait3A, %dma_wait3A_108] : memref<2x128x128xf32, #tpu.memory_space<vmem>> -> memref<1x128x128xf32, #tpu.memory_space<vmem>>
      %dma_wait3A_110 = tpu.memref_squeeze %dma_wait3A_109 : memref<1x128x128xf32, #tpu.memory_space<vmem>> -> memref<128x128xf32, #tpu.memory_space<vmem>>
      %dma_wait3A_111 = arith.constant 0 : i32
      %dma_wait3A_112 = tpu.memref_slice %arg4[%mul3A_107, %dma_wait3A_111] : memref<16384x128xf32, #tpu.memory_space<hbm>> -> memref<128x128xf32, #tpu.memory_space<hbm>>
      %dma_wait3A_113 = tpu.memref_slice %run_scoped3A_9[%rem3A_105] : memref<2x!tpu.dma_semaphore, #tpu.memory_space<semaphore_mem>> -> memref<1x!tpu.dma_semaphore, #tpu.memory_space<semaphore_mem>>
      %dma_wait3A_114 = tpu.memref_squeeze %dma_wait3A_113 : memref<1x!tpu.dma_semaphore, #tpu.memory_space<semaphore_mem>> -> memref<!tpu.dma_semaphore, #tpu.memory_space<semaphore_mem>>
      %dma_wait3A_115 = arith.constant 0 : i32
      %dma_wait3A_116 = tpu.memref_slice %arg4[%mul3A_107, %dma_wait3A_115] : memref<16384x128xf32, #tpu.memory_space<hbm>> -> memref<128x128xf32, #tpu.memory_space<hbm>>
      %dma_wait3A_117 = arith.constant 0 : i32
      %dma_wait3A_118 = arith.constant 0 : i32
      %dma_wait3A_119 = tpu.memref_slice %run_scoped3A_8[%rem3A_105, %dma_wait3A_117, %dma_wait3A_118] : memref<2x128x128xf32, #tpu.memory_space<vmem>> -> memref<1x128x128xf32, #tpu.memory_space<vmem>>
      %dma_wait3A_120 = tpu.memref_squeeze %dma_wait3A_119 : memref<1x128x128xf32, #tpu.memory_space<vmem>> -> memref<128x128xf32, #tpu.memory_space<vmem>>
      tpu.wait_dma2 semaphore(%dma_wait3A_114 : memref<!tpu.dma_semaphore, #tpu.memory_space<semaphore_mem>>) src(%dma_wait3A_120 : memref<128x128xf32, #tpu.memory_space<vmem>>) dst(%dma_wait3A_116 : memref<128x128xf32, #tpu.memory_space<hbm>>)
      "tpu.trace_stop"() : () -> ()
      tpu.yield
    }) : () -> ()
    return
  }
}

module attributes {stable_mosaic.version = 14 : i64} {
  func.func @_vq_block_kernel(%arg0: i32, %arg1: memref<256x32xf32, #tpu.memory_space<vmem>>, %arg2: memref<8192x32xf32, #tpu.memory_space<vmem>>, %arg3: memref<32x8192xf32, #tpu.memory_space<vmem>>, %arg4: memref<256x1xi32, #tpu.memory_space<vmem>>, %arg5: memref<256x1xf32, #tpu.memory_space<vmem>>, %arg6: memref<1x8192xf32, #tpu.memory_space<vmem>>) attributes {dimension_semantics = [#tpu.dimension_semantics<arbitrary>], iteration_bounds = array<i64: 64>, scalar_prefetch = 0 : i64, scratch_operands = 1 : i64, tpu.core_type = #tpu.core_type<tc>, window_params = [{transform_indices = @transform_0, window_bounds = array<i64: 256, 32>}, {pipeline_mode = #tpu.pipeline_mode<synchronous>, transform_indices = @transform_1, window_bounds = array<i64: 8192, 32>}, {pipeline_mode = #tpu.pipeline_mode<synchronous>, transform_indices = @transform_2, window_bounds = array<i64: 32, 8192>}, {transform_indices = @transform_3, window_bounds = array<i64: 256, 1>}, {transform_indices = @transform_4, window_bounds = array<i64: 256, 1>}]} {
    %eq3A = arith.constant 0 : i32
    %eq3A_0 = arith.cmpi eq, %arg0, %eq3A : i32
    %convert_element_type3A = arith.extui %eq3A_0 : i1 to i32
    %cond3A = arith.constant 0 : i32
    %cond3A_1 = arith.cmpi ne, %convert_element_type3A, %cond3A : i32
    scf.if %cond3A_1 {
      %get3A_1117 = arith.constant 0 : index
      %get3A_1118 = arith.constant 0 : index
      %get3A_1119 = vector.load %arg2[%get3A_1117, %get3A_1118] : memref<8192x32xf32, #tpu.memory_space<vmem>>, vector<8192x32xf32>
      %mul3A_1120 = arith.mulf %get3A_1119, %get3A_1119 : vector<8192x32xf32>
      %reduce_sum3A_1121 = arith.constant dense<0.000000e+00> : vector<8192xf32>
      %reduce_sum3A_1122 = vector.multi_reduction <add>, %mul3A_1120, %reduce_sum3A_1121 [1] : vector<8192x32xf32> to vector<8192xf32>
      %swap3A_1123 = arith.constant 0 : index
      %swap3A_1124 = arith.constant 0 : index
      %swap3A_1125 = vector.load %arg6[%swap3A_1123, %swap3A_1124] : memref<1x8192xf32, #tpu.memory_space<vmem>>, vector<1x8192xf32>
      %swap3A_1126 = vector.shape_cast %swap3A_1125 : vector<1x8192xf32> to vector<8192xf32>
      %swap3A_1127 = vector.shape_cast %reduce_sum3A_1122 : vector<8192xf32> to vector<1x8192xf32>
      tpu.vector_store %arg6[%swap3A_1123, %swap3A_1124], %swap3A_1127 {strides = array<i32>} : memref<1x8192xf32, #tpu.memory_space<vmem>>, vector<1x8192xf32>,
    } else {
    }
    %get3A = arith.constant 0 : index
    %get3A_2 = arith.constant 0 : index
    %get3A_3 = vector.load %arg1[%get3A, %get3A_2] : memref<256x32xf32, #tpu.memory_space<vmem>>, vector<256x32xf32>
    %mul3A = arith.constant -2.000000e+00 : f32
    %mul3A_4 = vector.broadcast %mul3A : f32 to vector<256x32xf32>
    %mul3A_5 = arith.mulf %get3A_3, %mul3A_4 : vector<256x32xf32>
    %mul3A_6 = arith.mulf %get3A_3, %get3A_3 : vector<256x32xf32>
    %reduce_sum3A = arith.constant dense<0.000000e+00> : vector<256xf32>
    %reduce_sum3A_7 = vector.multi_reduction <add>, %mul3A_6, %reduce_sum3A [1] : vector<256x32xf32> to vector<256xf32>
    %broadcast_in_dim3A = vector.shape_cast %reduce_sum3A_7 : vector<256xf32> to vector<256x1xf32>
    %broadcast_in_dim3A_8 = arith.constant 0x7F800000 : f32
    %broadcast_in_dim3A_9 = vector.broadcast %broadcast_in_dim3A_8 : f32 to vector<256x128xf32>
    %broadcast_in_dim3A_10 = arith.constant 0 : i32
    %broadcast_in_dim3A_11 = vector.broadcast %broadcast_in_dim3A_10 : i32 to vector<256x128xi32>
    %get3A_12 = arith.constant 0 : index
    %get3A_13 = arith.constant 0 : index
    %get3A_14 = vector.load %arg3[%get3A_12, %get3A_13] : memref<32x8192xf32, #tpu.memory_space<vmem>>, vector<32x128xf32>
    %dot_general3A = arith.constant dense<0.000000e+00> : vector<256x128xf32>
    %dot_general3A_15 = tpu.matmul %mul3A_5, %get3A_14, %dot_general3A {dimension_numbers = #tpu.dot_dimension_numbers<[1], [0], [0], [1], [0, 0, 1, 1], [], []>, transpose_lhs_hint = false} : vector<256x32xf32>, vector<32x128xf32>, vector<256x128xf32> -> vector<256x128xf32>
    %add3A = vector.broadcast %broadcast_in_dim3A : vector<256x1xf32> to vector<256x128xf32>
    %add3A_16 = arith.addf %add3A, %dot_general3A_15 : vector<256x128xf32>
    %get3A_17 = arith.constant 0 : index
    %get3A_18 = arith.constant 0 : index
    %get3A_19 = vector.load %arg6[%get3A_17, %get3A_18] : memref<1x8192xf32, #tpu.memory_space<vmem>>, vector<1x128xf32>
    %add3A_20 = vector.broadcast %get3A_19 : vector<1x128xf32> to vector<256x128xf32>
    %add3A_21 = arith.addf %add3A_16, %add3A_20 : vector<256x128xf32>
    %lt3A = arith.cmpf olt, %add3A_21, %broadcast_in_dim3A_9 : vector<256x128xf32>
    %select_n3A = arith.select %lt3A, %add3A_21, %broadcast_in_dim3A_9 : vector<256x128xi1>, vector<256x128xf32>
    %jit3A = arith.constant 0 : i32
    %broadcast_in_dim3A_22 = vector.broadcast %jit3A : i32 to vector<256x128xi32>
    %select_n3A_23 = arith.select %lt3A, %broadcast_in_dim3A_22, %broadcast_in_dim3A_11 : vector<256x128xi1>, vector<256x128xi32>
    %get3A_24 = arith.constant 0 : index
    %get3A_25 = arith.constant 128 : index
    %get3A_26 = vector.load %arg3[%get3A_24, %get3A_25] : memref<32x8192xf32, #tpu.memory_space<vmem>>, vector<32x128xf32>
    %dot_general3A_27 = arith.constant dense<0.000000e+00> : vector<256x128xf32>
    %dot_general3A_28 = tpu.matmul %mul3A_5, %get3A_26, %dot_general3A_27 {dimension_numbers = #tpu.dot_dimension_numbers<[1], [0], [0], [1], [0, 0, 1, 1], [], []>, transpose_lhs_hint = false} : vector<256x32xf32>, vector<32x128xf32>, vector<256x128xf32> -> vector<256x128xf32>
    %add3A_29 = vector.broadcast %broadcast_in_dim3A : vector<256x1xf32> to vector<256x128xf32>
    %add3A_30 = arith.addf %add3A_29, %dot_general3A_28 : vector<256x128xf32>
    %get3A_31 = arith.constant 0 : index
    %get3A_32 = arith.constant 128 : index
    %get3A_33 = vector.load %arg6[%get3A_31, %get3A_32] : memref<1x8192xf32, #tpu.memory_space<vmem>>, vector<1x128xf32>
    %add3A_34 = vector.broadcast %get3A_33 : vector<1x128xf32> to vector<256x128xf32>
    %add3A_35 = arith.addf %add3A_30, %add3A_34 : vector<256x128xf32>
    %lt3A_36 = arith.cmpf olt, %add3A_35, %select_n3A : vector<256x128xf32>
    %select_n3A_37 = arith.select %lt3A_36, %add3A_35, %select_n3A : vector<256x128xi1>, vector<256x128xf32>
    %jit3A_38 = arith.constant 1 : i32
    %broadcast_in_dim3A_39 = vector.broadcast %jit3A_38 : i32 to vector<256x128xi32>
    %select_n3A_40 = arith.select %lt3A_36, %broadcast_in_dim3A_39, %select_n3A_23 : vector<256x128xi1>, vector<256x128xi32>
    %get3A_41 = arith.constant 0 : index
    %get3A_42 = arith.constant 256 : index
    %get3A_43 = vector.load %arg3[%get3A_41, %get3A_42] : memref<32x8192xf32, #tpu.memory_space<vmem>>, vector<32x128xf32>
    %dot_general3A_44 = arith.constant dense<0.000000e+00> : vector<256x128xf32>
    %dot_general3A_45 = tpu.matmul %mul3A_5, %get3A_43, %dot_general3A_44 {dimension_numbers = #tpu.dot_dimension_numbers<[1], [0], [0], [1], [0, 0, 1, 1], [], []>, transpose_lhs_hint = false} : vector<256x32xf32>, vector<32x128xf32>, vector<256x128xf32> -> vector<256x128xf32>
    %add3A_46 = vector.broadcast %broadcast_in_dim3A : vector<256x1xf32> to vector<256x128xf32>
    %add3A_47 = arith.addf %add3A_46, %dot_general3A_45 : vector<256x128xf32>
    %get3A_48 = arith.constant 0 : index
    %get3A_49 = arith.constant 256 : index
    %get3A_50 = vector.load %arg6[%get3A_48, %get3A_49] : memref<1x8192xf32, #tpu.memory_space<vmem>>, vector<1x128xf32>
    %add3A_51 = vector.broadcast %get3A_50 : vector<1x128xf32> to vector<256x128xf32>
    %add3A_52 = arith.addf %add3A_47, %add3A_51 : vector<256x128xf32>
    %lt3A_53 = arith.cmpf olt, %add3A_52, %select_n3A_37 : vector<256x128xf32>
    %select_n3A_54 = arith.select %lt3A_53, %add3A_52, %select_n3A_37 : vector<256x128xi1>, vector<256x128xf32>
    %jit3A_55 = arith.constant 2 : i32
    %broadcast_in_dim3A_56 = vector.broadcast %jit3A_55 : i32 to vector<256x128xi32>
    %select_n3A_57 = arith.select %lt3A_53, %broadcast_in_dim3A_56, %select_n3A_40 : vector<256x128xi1>, vector<256x128xi32>
    %get3A_58 = arith.constant 0 : index
    %get3A_59 = arith.constant 384 : index
    %get3A_60 = vector.load %arg3[%get3A_58, %get3A_59] : memref<32x8192xf32, #tpu.memory_space<vmem>>, vector<32x128xf32>
    %dot_general3A_61 = arith.constant dense<0.000000e+00> : vector<256x128xf32>
    %dot_general3A_62 = tpu.matmul %mul3A_5, %get3A_60, %dot_general3A_61 {dimension_numbers = #tpu.dot_dimension_numbers<[1], [0], [0], [1], [0, 0, 1, 1], [], []>, transpose_lhs_hint = false} : vector<256x32xf32>, vector<32x128xf32>, vector<256x128xf32> -> vector<256x128xf32>
    %add3A_63 = vector.broadcast %broadcast_in_dim3A : vector<256x1xf32> to vector<256x128xf32>
    %add3A_64 = arith.addf %add3A_63, %dot_general3A_62 : vector<256x128xf32>
    %get3A_65 = arith.constant 0 : index
    %get3A_66 = arith.constant 384 : index
    %get3A_67 = vector.load %arg6[%get3A_65, %get3A_66] : memref<1x8192xf32, #tpu.memory_space<vmem>>, vector<1x128xf32>
    %add3A_68 = vector.broadcast %get3A_67 : vector<1x128xf32> to vector<256x128xf32>
    %add3A_69 = arith.addf %add3A_64, %add3A_68 : vector<256x128xf32>
    %lt3A_70 = arith.cmpf olt, %add3A_69, %select_n3A_54 : vector<256x128xf32>
    %select_n3A_71 = arith.select %lt3A_70, %add3A_69, %select_n3A_54 : vector<256x128xi1>, vector<256x128xf32>
    %jit3A_72 = arith.constant 3 : i32
    %broadcast_in_dim3A_73 = vector.broadcast %jit3A_72 : i32 to vector<256x128xi32>
    %select_n3A_74 = arith.select %lt3A_70, %broadcast_in_dim3A_73, %select_n3A_57 : vector<256x128xi1>, vector<256x128xi32>
    %get3A_75 = arith.constant 0 : index
    %get3A_76 = arith.constant 512 : index
    %get3A_77 = vector.load %arg3[%get3A_75, %get3A_76] : memref<32x8192xf32, #tpu.memory_space<vmem>>, vector<32x128xf32>
    %dot_general3A_78 = arith.constant dense<0.000000e+00> : vector<256x128xf32>
    %dot_general3A_79 = tpu.matmul %mul3A_5, %get3A_77, %dot_general3A_78 {dimension_numbers = #tpu.dot_dimension_numbers<[1], [0], [0], [1], [0, 0, 1, 1], [], []>, transpose_lhs_hint = false} : vector<256x32xf32>, vector<32x128xf32>, vector<256x128xf32> -> vector<256x128xf32>
    %add3A_80 = vector.broadcast %broadcast_in_dim3A : vector<256x1xf32> to vector<256x128xf32>
    %add3A_81 = arith.addf %add3A_80, %dot_general3A_79 : vector<256x128xf32>
    %get3A_82 = arith.constant 0 : index
    %get3A_83 = arith.constant 512 : index
    %get3A_84 = vector.load %arg6[%get3A_82, %get3A_83] : memref<1x8192xf32, #tpu.memory_space<vmem>>, vector<1x128xf32>
    %add3A_85 = vector.broadcast %get3A_84 : vector<1x128xf32> to vector<256x128xf32>
    %add3A_86 = arith.addf %add3A_81, %add3A_85 : vector<256x128xf32>
    %lt3A_87 = arith.cmpf olt, %add3A_86, %select_n3A_71 : vector<256x128xf32>
    %select_n3A_88 = arith.select %lt3A_87, %add3A_86, %select_n3A_71 : vector<256x128xi1>, vector<256x128xf32>
    %jit3A_89 = arith.constant 4 : i32
    %broadcast_in_dim3A_90 = vector.broadcast %jit3A_89 : i32 to vector<256x128xi32>
    %select_n3A_91 = arith.select %lt3A_87, %broadcast_in_dim3A_90, %select_n3A_74 : vector<256x128xi1>, vector<256x128xi32>
    %get3A_92 = arith.constant 0 : index
    %get3A_93 = arith.constant 640 : index
    %get3A_94 = vector.load %arg3[%get3A_92, %get3A_93] : memref<32x8192xf32, #tpu.memory_space<vmem>>, vector<32x128xf32>
    %dot_general3A_95 = arith.constant dense<0.000000e+00> : vector<256x128xf32>
    %dot_general3A_96 = tpu.matmul %mul3A_5, %get3A_94, %dot_general3A_95 {dimension_numbers = #tpu.dot_dimension_numbers<[1], [0], [0], [1], [0, 0, 1, 1], [], []>, transpose_lhs_hint = false} : vector<256x32xf32>, vector<32x128xf32>, vector<256x128xf32> -> vector<256x128xf32>
    %add3A_97 = vector.broadcast %broadcast_in_dim3A : vector<256x1xf32> to vector<256x128xf32>
    %add3A_98 = arith.addf %add3A_97, %dot_general3A_96 : vector<256x128xf32>
    %get3A_99 = arith.constant 0 : index
    %get3A_100 = arith.constant 640 : index
    %get3A_101 = vector.load %arg6[%get3A_99, %get3A_100] : memref<1x8192xf32, #tpu.memory_space<vmem>>, vector<1x128xf32>
    %add3A_102 = vector.broadcast %get3A_101 : vector<1x128xf32> to vector<256x128xf32>
    %add3A_103 = arith.addf %add3A_98, %add3A_102 : vector<256x128xf32>
    %lt3A_104 = arith.cmpf olt, %add3A_103, %select_n3A_88 : vector<256x128xf32>
    %select_n3A_105 = arith.select %lt3A_104, %add3A_103, %select_n3A_88 : vector<256x128xi1>, vector<256x128xf32>
    %jit3A_106 = arith.constant 5 : i32
    %broadcast_in_dim3A_107 = vector.broadcast %jit3A_106 : i32 to vector<256x128xi32>
    %select_n3A_108 = arith.select %lt3A_104, %broadcast_in_dim3A_107, %select_n3A_91 : vector<256x128xi1>, vector<256x128xi32>
    %get3A_109 = arith.constant 0 : index
    %get3A_110 = arith.constant 768 : index
    %get3A_111 = vector.load %arg3[%get3A_109, %get3A_110] : memref<32x8192xf32, #tpu.memory_space<vmem>>, vector<32x128xf32>
    %dot_general3A_112 = arith.constant dense<0.000000e+00> : vector<256x128xf32>
    %dot_general3A_113 = tpu.matmul %mul3A_5, %get3A_111, %dot_general3A_112 {dimension_numbers = #tpu.dot_dimension_numbers<[1], [0], [0], [1], [0, 0, 1, 1], [], []>, transpose_lhs_hint = false} : vector<256x32xf32>, vector<32x128xf32>, vector<256x128xf32> -> vector<256x128xf32>
    %add3A_114 = vector.broadcast %broadcast_in_dim3A : vector<256x1xf32> to vector<256x128xf32>
    %add3A_115 = arith.addf %add3A_114, %dot_general3A_113 : vector<256x128xf32>
    %get3A_116 = arith.constant 0 : index
    %get3A_117 = arith.constant 768 : index
    %get3A_118 = vector.load %arg6[%get3A_116, %get3A_117] : memref<1x8192xf32, #tpu.memory_space<vmem>>, vector<1x128xf32>
    %add3A_119 = vector.broadcast %get3A_118 : vector<1x128xf32> to vector<256x128xf32>
    %add3A_120 = arith.addf %add3A_115, %add3A_119 : vector<256x128xf32>
    %lt3A_121 = arith.cmpf olt, %add3A_120, %select_n3A_105 : vector<256x128xf32>
    %select_n3A_122 = arith.select %lt3A_121, %add3A_120, %select_n3A_105 : vector<256x128xi1>, vector<256x128xf32>
    %jit3A_123 = arith.constant 6 : i32
    %broadcast_in_dim3A_124 = vector.broadcast %jit3A_123 : i32 to vector<256x128xi32>
    %select_n3A_125 = arith.select %lt3A_121, %broadcast_in_dim3A_124, %select_n3A_108 : vector<256x128xi1>, vector<256x128xi32>
    %get3A_126 = arith.constant 0 : index
    %get3A_127 = arith.constant 896 : index
    %get3A_128 = vector.load %arg3[%get3A_126, %get3A_127] : memref<32x8192xf32, #tpu.memory_space<vmem>>, vector<32x128xf32>
    %dot_general3A_129 = arith.constant dense<0.000000e+00> : vector<256x128xf32>
    %dot_general3A_130 = tpu.matmul %mul3A_5, %get3A_128, %dot_general3A_129 {dimension_numbers = #tpu.dot_dimension_numbers<[1], [0], [0], [1], [0, 0, 1, 1], [], []>, transpose_lhs_hint = false} : vector<256x32xf32>, vector<32x128xf32>, vector<256x128xf32> -> vector<256x128xf32>
    %add3A_131 = vector.broadcast %broadcast_in_dim3A : vector<256x1xf32> to vector<256x128xf32>
    %add3A_132 = arith.addf %add3A_131, %dot_general3A_130 : vector<256x128xf32>
    %get3A_133 = arith.constant 0 : index
    %get3A_134 = arith.constant 896 : index
    %get3A_135 = vector.load %arg6[%get3A_133, %get3A_134] : memref<1x8192xf32, #tpu.memory_space<vmem>>, vector<1x128xf32>
    %add3A_136 = vector.broadcast %get3A_135 : vector<1x128xf32> to vector<256x128xf32>
    %add3A_137 = arith.addf %add3A_132, %add3A_136 : vector<256x128xf32>
    %lt3A_138 = arith.cmpf olt, %add3A_137, %select_n3A_122 : vector<256x128xf32>
    %select_n3A_139 = arith.select %lt3A_138, %add3A_137, %select_n3A_122 : vector<256x128xi1>, vector<256x128xf32>
    %jit3A_140 = arith.constant 7 : i32
    %broadcast_in_dim3A_141 = vector.broadcast %jit3A_140 : i32 to vector<256x128xi32>
    %select_n3A_142 = arith.select %lt3A_138, %broadcast_in_dim3A_141, %select_n3A_125 : vector<256x128xi1>, vector<256x128xi32>
    %get3A_143 = arith.constant 0 : index
    %get3A_144 = arith.constant 1024 : index
    %get3A_145 = vector.load %arg3[%get3A_143, %get3A_144] : memref<32x8192xf32, #tpu.memory_space<vmem>>, vector<32x128xf32>
    %dot_general3A_146 = arith.constant dense<0.000000e+00> : vector<256x128xf32>
    %dot_general3A_147 = tpu.matmul %mul3A_5, %get3A_145, %dot_general3A_146 {dimension_numbers = #tpu.dot_dimension_numbers<[1], [0], [0], [1], [0, 0, 1, 1], [], []>, transpose_lhs_hint = false} : vector<256x32xf32>, vector<32x128xf32>, vector<256x128xf32> -> vector<256x128xf32>
    %add3A_148 = vector.broadcast %broadcast_in_dim3A : vector<256x1xf32> to vector<256x128xf32>
    %add3A_149 = arith.addf %add3A_148, %dot_general3A_147 : vector<256x128xf32>
    %get3A_150 = arith.constant 0 : index
    %get3A_151 = arith.constant 1024 : index
    %get3A_152 = vector.load %arg6[%get3A_150, %get3A_151] : memref<1x8192xf32, #tpu.memory_space<vmem>>, vector<1x128xf32>
    %add3A_153 = vector.broadcast %get3A_152 : vector<1x128xf32> to vector<256x128xf32>
    %add3A_154 = arith.addf %add3A_149, %add3A_153 : vector<256x128xf32>
    %lt3A_155 = arith.cmpf olt, %add3A_154, %select_n3A_139 : vector<256x128xf32>
    %select_n3A_156 = arith.select %lt3A_155, %add3A_154, %select_n3A_139 : vector<256x128xi1>, vector<256x128xf32>
    %jit3A_157 = arith.constant 8 : i32
    %broadcast_in_dim3A_158 = vector.broadcast %jit3A_157 : i32 to vector<256x128xi32>
    %select_n3A_159 = arith.select %lt3A_155, %broadcast_in_dim3A_158, %select_n3A_142 : vector<256x128xi1>, vector<256x128xi32>
    %get3A_160 = arith.constant 0 : index
    %get3A_161 = arith.constant 1152 : index
    %get3A_162 = vector.load %arg3[%get3A_160, %get3A_161] : memref<32x8192xf32, #tpu.memory_space<vmem>>, vector<32x128xf32>
    %dot_general3A_163 = arith.constant dense<0.000000e+00> : vector<256x128xf32>
    %dot_general3A_164 = tpu.matmul %mul3A_5, %get3A_162, %dot_general3A_163 {dimension_numbers = #tpu.dot_dimension_numbers<[1], [0], [0], [1], [0, 0, 1, 1], [], []>, transpose_lhs_hint = false} : vector<256x32xf32>, vector<32x128xf32>, vector<256x128xf32> -> vector<256x128xf32>
    %add3A_165 = vector.broadcast %broadcast_in_dim3A : vector<256x1xf32> to vector<256x128xf32>
    %add3A_166 = arith.addf %add3A_165, %dot_general3A_164 : vector<256x128xf32>
    %get3A_167 = arith.constant 0 : index
    %get3A_168 = arith.constant 1152 : index
    %get3A_169 = vector.load %arg6[%get3A_167, %get3A_168] : memref<1x8192xf32, #tpu.memory_space<vmem>>, vector<1x128xf32>
    %add3A_170 = vector.broadcast %get3A_169 : vector<1x128xf32> to vector<256x128xf32>
    %add3A_171 = arith.addf %add3A_166, %add3A_170 : vector<256x128xf32>
    %lt3A_172 = arith.cmpf olt, %add3A_171, %select_n3A_156 : vector<256x128xf32>
    %select_n3A_173 = arith.select %lt3A_172, %add3A_171, %select_n3A_156 : vector<256x128xi1>, vector<256x128xf32>
    %jit3A_174 = arith.constant 9 : i32
    %broadcast_in_dim3A_175 = vector.broadcast %jit3A_174 : i32 to vector<256x128xi32>
    %select_n3A_176 = arith.select %lt3A_172, %broadcast_in_dim3A_175, %select_n3A_159 : vector<256x128xi1>, vector<256x128xi32>
    %get3A_177 = arith.constant 0 : index
    %get3A_178 = arith.constant 1280 : index
    %get3A_179 = vector.load %arg3[%get3A_177, %get3A_178] : memref<32x8192xf32, #tpu.memory_space<vmem>>, vector<32x128xf32>
    %dot_general3A_180 = arith.constant dense<0.000000e+00> : vector<256x128xf32>
    %dot_general3A_181 = tpu.matmul %mul3A_5, %get3A_179, %dot_general3A_180 {dimension_numbers = #tpu.dot_dimension_numbers<[1], [0], [0], [1], [0, 0, 1, 1], [], []>, transpose_lhs_hint = false} : vector<256x32xf32>, vector<32x128xf32>, vector<256x128xf32> -> vector<256x128xf32>
    %add3A_182 = vector.broadcast %broadcast_in_dim3A : vector<256x1xf32> to vector<256x128xf32>
    %add3A_183 = arith.addf %add3A_182, %dot_general3A_181 : vector<256x128xf32>
    %get3A_184 = arith.constant 0 : index
    %get3A_185 = arith.constant 1280 : index
    %get3A_186 = vector.load %arg6[%get3A_184, %get3A_185] : memref<1x8192xf32, #tpu.memory_space<vmem>>, vector<1x128xf32>
    %add3A_187 = vector.broadcast %get3A_186 : vector<1x128xf32> to vector<256x128xf32>
    %add3A_188 = arith.addf %add3A_183, %add3A_187 : vector<256x128xf32>
    %lt3A_189 = arith.cmpf olt, %add3A_188, %select_n3A_173 : vector<256x128xf32>
    %select_n3A_190 = arith.select %lt3A_189, %add3A_188, %select_n3A_173 : vector<256x128xi1>, vector<256x128xf32>
    %jit3A_191 = arith.constant 10 : i32
    %broadcast_in_dim3A_192 = vector.broadcast %jit3A_191 : i32 to vector<256x128xi32>
    %select_n3A_193 = arith.select %lt3A_189, %broadcast_in_dim3A_192, %select_n3A_176 : vector<256x128xi1>, vector<256x128xi32>
    %get3A_194 = arith.constant 0 : index
    %get3A_195 = arith.constant 1408 : index
    %get3A_196 = vector.load %arg3[%get3A_194, %get3A_195] : memref<32x8192xf32, #tpu.memory_space<vmem>>, vector<32x128xf32>
    %dot_general3A_197 = arith.constant dense<0.000000e+00> : vector<256x128xf32>
    %dot_general3A_198 = tpu.matmul %mul3A_5, %get3A_196, %dot_general3A_197 {dimension_numbers = #tpu.dot_dimension_numbers<[1], [0], [0], [1], [0, 0, 1, 1], [], []>, transpose_lhs_hint = false} : vector<256x32xf32>, vector<32x128xf32>, vector<256x128xf32> -> vector<256x128xf32>
    %add3A_199 = vector.broadcast %broadcast_in_dim3A : vector<256x1xf32> to vector<256x128xf32>
    %add3A_200 = arith.addf %add3A_199, %dot_general3A_198 : vector<256x128xf32>
    %get3A_201 = arith.constant 0 : index
    %get3A_202 = arith.constant 1408 : index
    %get3A_203 = vector.load %arg6[%get3A_201, %get3A_202] : memref<1x8192xf32, #tpu.memory_space<vmem>>, vector<1x128xf32>
    %add3A_204 = vector.broadcast %get3A_203 : vector<1x128xf32> to vector<256x128xf32>
    %add3A_205 = arith.addf %add3A_200, %add3A_204 : vector<256x128xf32>
    %lt3A_206 = arith.cmpf olt, %add3A_205, %select_n3A_190 : vector<256x128xf32>
    %select_n3A_207 = arith.select %lt3A_206, %add3A_205, %select_n3A_190 : vector<256x128xi1>, vector<256x128xf32>
    %jit3A_208 = arith.constant 11 : i32
    %broadcast_in_dim3A_209 = vector.broadcast %jit3A_208 : i32 to vector<256x128xi32>
    %select_n3A_210 = arith.select %lt3A_206, %broadcast_in_dim3A_209, %select_n3A_193 : vector<256x128xi1>, vector<256x128xi32>
    %get3A_211 = arith.constant 0 : index
    %get3A_212 = arith.constant 1536 : index
    %get3A_213 = vector.load %arg3[%get3A_211, %get3A_212] : memref<32x8192xf32, #tpu.memory_space<vmem>>, vector<32x128xf32>
    %dot_general3A_214 = arith.constant dense<0.000000e+00> : vector<256x128xf32>
    %dot_general3A_215 = tpu.matmul %mul3A_5, %get3A_213, %dot_general3A_214 {dimension_numbers = #tpu.dot_dimension_numbers<[1], [0], [0], [1], [0, 0, 1, 1], [], []>, transpose_lhs_hint = false} : vector<256x32xf32>, vector<32x128xf32>, vector<256x128xf32> -> vector<256x128xf32>
    %add3A_216 = vector.broadcast %broadcast_in_dim3A : vector<256x1xf32> to vector<256x128xf32>
    %add3A_217 = arith.addf %add3A_216, %dot_general3A_215 : vector<256x128xf32>
    %get3A_218 = arith.constant 0 : index
    %get3A_219 = arith.constant 1536 : index
    %get3A_220 = vector.load %arg6[%get3A_218, %get3A_219] : memref<1x8192xf32, #tpu.memory_space<vmem>>, vector<1x128xf32>
    %add3A_221 = vector.broadcast %get3A_220 : vector<1x128xf32> to vector<256x128xf32>
    %add3A_222 = arith.addf %add3A_217, %add3A_221 : vector<256x128xf32>
    %lt3A_223 = arith.cmpf olt, %add3A_222, %select_n3A_207 : vector<256x128xf32>
    %select_n3A_224 = arith.select %lt3A_223, %add3A_222, %select_n3A_207 : vector<256x128xi1>, vector<256x128xf32>
    %jit3A_225 = arith.constant 12 : i32
    %broadcast_in_dim3A_226 = vector.broadcast %jit3A_225 : i32 to vector<256x128xi32>
    %select_n3A_227 = arith.select %lt3A_223, %broadcast_in_dim3A_226, %select_n3A_210 : vector<256x128xi1>, vector<256x128xi32>
    %get3A_228 = arith.constant 0 : index
    %get3A_229 = arith.constant 1664 : index
    %get3A_230 = vector.load %arg3[%get3A_228, %get3A_229] : memref<32x8192xf32, #tpu.memory_space<vmem>>, vector<32x128xf32>
    %dot_general3A_231 = arith.constant dense<0.000000e+00> : vector<256x128xf32>
    %dot_general3A_232 = tpu.matmul %mul3A_5, %get3A_230, %dot_general3A_231 {dimension_numbers = #tpu.dot_dimension_numbers<[1], [0], [0], [1], [0, 0, 1, 1], [], []>, transpose_lhs_hint = false} : vector<256x32xf32>, vector<32x128xf32>, vector<256x128xf32> -> vector<256x128xf32>
    %add3A_233 = vector.broadcast %broadcast_in_dim3A : vector<256x1xf32> to vector<256x128xf32>
    %add3A_234 = arith.addf %add3A_233, %dot_general3A_232 : vector<256x128xf32>
    %get3A_235 = arith.constant 0 : index
    %get3A_236 = arith.constant 1664 : index
    %get3A_237 = vector.load %arg6[%get3A_235, %get3A_236] : memref<1x8192xf32, #tpu.memory_space<vmem>>, vector<1x128xf32>
    %add3A_238 = vector.broadcast %get3A_237 : vector<1x128xf32> to vector<256x128xf32>
    %add3A_239 = arith.addf %add3A_234, %add3A_238 : vector<256x128xf32>
    %lt3A_240 = arith.cmpf olt, %add3A_239, %select_n3A_224 : vector<256x128xf32>
    %select_n3A_241 = arith.select %lt3A_240, %add3A_239, %select_n3A_224 : vector<256x128xi1>, vector<256x128xf32>
    %jit3A_242 = arith.constant 13 : i32
    %broadcast_in_dim3A_243 = vector.broadcast %jit3A_242 : i32 to vector<256x128xi32>
    %select_n3A_244 = arith.select %lt3A_240, %broadcast_in_dim3A_243, %select_n3A_227 : vector<256x128xi1>, vector<256x128xi32>
    %get3A_245 = arith.constant 0 : index
    %get3A_246 = arith.constant 1792 : index
    %get3A_247 = vector.load %arg3[%get3A_245, %get3A_246] : memref<32x8192xf32, #tpu.memory_space<vmem>>, vector<32x128xf32>
    %dot_general3A_248 = arith.constant dense<0.000000e+00> : vector<256x128xf32>
    %dot_general3A_249 = tpu.matmul %mul3A_5, %get3A_247, %dot_general3A_248 {dimension_numbers = #tpu.dot_dimension_numbers<[1], [0], [0], [1], [0, 0, 1, 1], [], []>, transpose_lhs_hint = false} : vector<256x32xf32>, vector<32x128xf32>, vector<256x128xf32> -> vector<256x128xf32>
    %add3A_250 = vector.broadcast %broadcast_in_dim3A : vector<256x1xf32> to vector<256x128xf32>
    %add3A_251 = arith.addf %add3A_250, %dot_general3A_249 : vector<256x128xf32>
    %get3A_252 = arith.constant 0 : index
    %get3A_253 = arith.constant 1792 : index
    %get3A_254 = vector.load %arg6[%get3A_252, %get3A_253] : memref<1x8192xf32, #tpu.memory_space<vmem>>, vector<1x128xf32>
    %add3A_255 = vector.broadcast %get3A_254 : vector<1x128xf32> to vector<256x128xf32>
    %add3A_256 = arith.addf %add3A_251, %add3A_255 : vector<256x128xf32>
    %lt3A_257 = arith.cmpf olt, %add3A_256, %select_n3A_241 : vector<256x128xf32>
    %select_n3A_258 = arith.select %lt3A_257, %add3A_256, %select_n3A_241 : vector<256x128xi1>, vector<256x128xf32>
    %jit3A_259 = arith.constant 14 : i32
    %broadcast_in_dim3A_260 = vector.broadcast %jit3A_259 : i32 to vector<256x128xi32>
    %select_n3A_261 = arith.select %lt3A_257, %broadcast_in_dim3A_260, %select_n3A_244 : vector<256x128xi1>, vector<256x128xi32>
    %get3A_262 = arith.constant 0 : index
    %get3A_263 = arith.constant 1920 : index
    %get3A_264 = vector.load %arg3[%get3A_262, %get3A_263] : memref<32x8192xf32, #tpu.memory_space<vmem>>, vector<32x128xf32>
    %dot_general3A_265 = arith.constant dense<0.000000e+00> : vector<256x128xf32>
    %dot_general3A_266 = tpu.matmul %mul3A_5, %get3A_264, %dot_general3A_265 {dimension_numbers = #tpu.dot_dimension_numbers<[1], [0], [0], [1], [0, 0, 1, 1], [], []>, transpose_lhs_hint = false} : vector<256x32xf32>, vector<32x128xf32>, vector<256x128xf32> -> vector<256x128xf32>
    %add3A_267 = vector.broadcast %broadcast_in_dim3A : vector<256x1xf32> to vector<256x128xf32>
    %add3A_268 = arith.addf %add3A_267, %dot_general3A_266 : vector<256x128xf32>
    %get3A_269 = arith.constant 0 : index
    %get3A_270 = arith.constant 1920 : index
    %get3A_271 = vector.load %arg6[%get3A_269, %get3A_270] : memref<1x8192xf32, #tpu.memory_space<vmem>>, vector<1x128xf32>
    %add3A_272 = vector.broadcast %get3A_271 : vector<1x128xf32> to vector<256x128xf32>
    %add3A_273 = arith.addf %add3A_268, %add3A_272 : vector<256x128xf32>
    %lt3A_274 = arith.cmpf olt, %add3A_273, %select_n3A_258 : vector<256x128xf32>
    %select_n3A_275 = arith.select %lt3A_274, %add3A_273, %select_n3A_258 : vector<256x128xi1>, vector<256x128xf32>
    %jit3A_276 = arith.constant 15 : i32
    %broadcast_in_dim3A_277 = vector.broadcast %jit3A_276 : i32 to vector<256x128xi32>
    %select_n3A_278 = arith.select %lt3A_274, %broadcast_in_dim3A_277, %select_n3A_261 : vector<256x128xi1>, vector<256x128xi32>
    %get3A_279 = arith.constant 0 : index
    %get3A_280 = arith.constant 2048 : index
    %get3A_281 = vector.load %arg3[%get3A_279, %get3A_280] : memref<32x8192xf32, #tpu.memory_space<vmem>>, vector<32x128xf32>
    %dot_general3A_282 = arith.constant dense<0.000000e+00> : vector<256x128xf32>
    %dot_general3A_283 = tpu.matmul %mul3A_5, %get3A_281, %dot_general3A_282 {dimension_numbers = #tpu.dot_dimension_numbers<[1], [0], [0], [1], [0, 0, 1, 1], [], []>, transpose_lhs_hint = false} : vector<256x32xf32>, vector<32x128xf32>, vector<256x128xf32> -> vector<256x128xf32>
    %add3A_284 = vector.broadcast %broadcast_in_dim3A : vector<256x1xf32> to vector<256x128xf32>
    %add3A_285 = arith.addf %add3A_284, %dot_general3A_283 : vector<256x128xf32>
    %get3A_286 = arith.constant 0 : index
    %get3A_287 = arith.constant 2048 : index
    %get3A_288 = vector.load %arg6[%get3A_286, %get3A_287] : memref<1x8192xf32, #tpu.memory_space<vmem>>, vector<1x128xf32>
    %add3A_289 = vector.broadcast %get3A_288 : vector<1x128xf32> to vector<256x128xf32>
    %add3A_290 = arith.addf %add3A_285, %add3A_289 : vector<256x128xf32>
    %lt3A_291 = arith.cmpf olt, %add3A_290, %select_n3A_275 : vector<256x128xf32>
    %select_n3A_292 = arith.select %lt3A_291, %add3A_290, %select_n3A_275 : vector<256x128xi1>, vector<256x128xf32>
    %jit3A_293 = arith.constant 16 : i32
    %broadcast_in_dim3A_294 = vector.broadcast %jit3A_293 : i32 to vector<256x128xi32>
    %select_n3A_295 = arith.select %lt3A_291, %broadcast_in_dim3A_294, %select_n3A_278 : vector<256x128xi1>, vector<256x128xi32>
    %get3A_296 = arith.constant 0 : index
    %get3A_297 = arith.constant 2176 : index
    %get3A_298 = vector.load %arg3[%get3A_296, %get3A_297] : memref<32x8192xf32, #tpu.memory_space<vmem>>, vector<32x128xf32>
    %dot_general3A_299 = arith.constant dense<0.000000e+00> : vector<256x128xf32>
    %dot_general3A_300 = tpu.matmul %mul3A_5, %get3A_298, %dot_general3A_299 {dimension_numbers = #tpu.dot_dimension_numbers<[1], [0], [0], [1], [0, 0, 1, 1], [], []>, transpose_lhs_hint = false} : vector<256x32xf32>, vector<32x128xf32>, vector<256x128xf32> -> vector<256x128xf32>
    %add3A_301 = vector.broadcast %broadcast_in_dim3A : vector<256x1xf32> to vector<256x128xf32>
    %add3A_302 = arith.addf %add3A_301, %dot_general3A_300 : vector<256x128xf32>
    %get3A_303 = arith.constant 0 : index
    %get3A_304 = arith.constant 2176 : index
    %get3A_305 = vector.load %arg6[%get3A_303, %get3A_304] : memref<1x8192xf32, #tpu.memory_space<vmem>>, vector<1x128xf32>
    %add3A_306 = vector.broadcast %get3A_305 : vector<1x128xf32> to vector<256x128xf32>
    %add3A_307 = arith.addf %add3A_302, %add3A_306 : vector<256x128xf32>
    %lt3A_308 = arith.cmpf olt, %add3A_307, %select_n3A_292 : vector<256x128xf32>
    %select_n3A_309 = arith.select %lt3A_308, %add3A_307, %select_n3A_292 : vector<256x128xi1>, vector<256x128xf32>
    %jit3A_310 = arith.constant 17 : i32
    %broadcast_in_dim3A_311 = vector.broadcast %jit3A_310 : i32 to vector<256x128xi32>
    %select_n3A_312 = arith.select %lt3A_308, %broadcast_in_dim3A_311, %select_n3A_295 : vector<256x128xi1>, vector<256x128xi32>
    %get3A_313 = arith.constant 0 : index
    %get3A_314 = arith.constant 2304 : index
    %get3A_315 = vector.load %arg3[%get3A_313, %get3A_314] : memref<32x8192xf32, #tpu.memory_space<vmem>>, vector<32x128xf32>
    %dot_general3A_316 = arith.constant dense<0.000000e+00> : vector<256x128xf32>
    %dot_general3A_317 = tpu.matmul %mul3A_5, %get3A_315, %dot_general3A_316 {dimension_numbers = #tpu.dot_dimension_numbers<[1], [0], [0], [1], [0, 0, 1, 1], [], []>, transpose_lhs_hint = false} : vector<256x32xf32>, vector<32x128xf32>, vector<256x128xf32> -> vector<256x128xf32>
    %add3A_318 = vector.broadcast %broadcast_in_dim3A : vector<256x1xf32> to vector<256x128xf32>
    %add3A_319 = arith.addf %add3A_318, %dot_general3A_317 : vector<256x128xf32>
    %get3A_320 = arith.constant 0 : index
    %get3A_321 = arith.constant 2304 : index
    %get3A_322 = vector.load %arg6[%get3A_320, %get3A_321] : memref<1x8192xf32, #tpu.memory_space<vmem>>, vector<1x128xf32>
    %add3A_323 = vector.broadcast %get3A_322 : vector<1x128xf32> to vector<256x128xf32>
    %add3A_324 = arith.addf %add3A_319, %add3A_323 : vector<256x128xf32>
    %lt3A_325 = arith.cmpf olt, %add3A_324, %select_n3A_309 : vector<256x128xf32>
    %select_n3A_326 = arith.select %lt3A_325, %add3A_324, %select_n3A_309 : vector<256x128xi1>, vector<256x128xf32>
    %jit3A_327 = arith.constant 18 : i32
    %broadcast_in_dim3A_328 = vector.broadcast %jit3A_327 : i32 to vector<256x128xi32>
    %select_n3A_329 = arith.select %lt3A_325, %broadcast_in_dim3A_328, %select_n3A_312 : vector<256x128xi1>, vector<256x128xi32>
    %get3A_330 = arith.constant 0 : index
    %get3A_331 = arith.constant 2432 : index
    %get3A_332 = vector.load %arg3[%get3A_330, %get3A_331] : memref<32x8192xf32, #tpu.memory_space<vmem>>, vector<32x128xf32>
    %dot_general3A_333 = arith.constant dense<0.000000e+00> : vector<256x128xf32>
    %dot_general3A_334 = tpu.matmul %mul3A_5, %get3A_332, %dot_general3A_333 {dimension_numbers = #tpu.dot_dimension_numbers<[1], [0], [0], [1], [0, 0, 1, 1], [], []>, transpose_lhs_hint = false} : vector<256x32xf32>, vector<32x128xf32>, vector<256x128xf32> -> vector<256x128xf32>
    %add3A_335 = vector.broadcast %broadcast_in_dim3A : vector<256x1xf32> to vector<256x128xf32>
    %add3A_336 = arith.addf %add3A_335, %dot_general3A_334 : vector<256x128xf32>
    %get3A_337 = arith.constant 0 : index
    %get3A_338 = arith.constant 2432 : index
    %get3A_339 = vector.load %arg6[%get3A_337, %get3A_338] : memref<1x8192xf32, #tpu.memory_space<vmem>>, vector<1x128xf32>
    %add3A_340 = vector.broadcast %get3A_339 : vector<1x128xf32> to vector<256x128xf32>
    %add3A_341 = arith.addf %add3A_336, %add3A_340 : vector<256x128xf32>
    %lt3A_342 = arith.cmpf olt, %add3A_341, %select_n3A_326 : vector<256x128xf32>
    %select_n3A_343 = arith.select %lt3A_342, %add3A_341, %select_n3A_326 : vector<256x128xi1>, vector<256x128xf32>
    %jit3A_344 = arith.constant 19 : i32
    %broadcast_in_dim3A_345 = vector.broadcast %jit3A_344 : i32 to vector<256x128xi32>
    %select_n3A_346 = arith.select %lt3A_342, %broadcast_in_dim3A_345, %select_n3A_329 : vector<256x128xi1>, vector<256x128xi32>
    %get3A_347 = arith.constant 0 : index
    %get3A_348 = arith.constant 2560 : index
    %get3A_349 = vector.load %arg3[%get3A_347, %get3A_348] : memref<32x8192xf32, #tpu.memory_space<vmem>>, vector<32x128xf32>
    %dot_general3A_350 = arith.constant dense<0.000000e+00> : vector<256x128xf32>
    %dot_general3A_351 = tpu.matmul %mul3A_5, %get3A_349, %dot_general3A_350 {dimension_numbers = #tpu.dot_dimension_numbers<[1], [0], [0], [1], [0, 0, 1, 1], [], []>, transpose_lhs_hint = false} : vector<256x32xf32>, vector<32x128xf32>, vector<256x128xf32> -> vector<256x128xf32>
    %add3A_352 = vector.broadcast %broadcast_in_dim3A : vector<256x1xf32> to vector<256x128xf32>
    %add3A_353 = arith.addf %add3A_352, %dot_general3A_351 : vector<256x128xf32>
    %get3A_354 = arith.constant 0 : index
    %get3A_355 = arith.constant 2560 : index
    %get3A_356 = vector.load %arg6[%get3A_354, %get3A_355] : memref<1x8192xf32, #tpu.memory_space<vmem>>, vector<1x128xf32>
    %add3A_357 = vector.broadcast %get3A_356 : vector<1x128xf32> to vector<256x128xf32>
    %add3A_358 = arith.addf %add3A_353, %add3A_357 : vector<256x128xf32>
    %lt3A_359 = arith.cmpf olt, %add3A_358, %select_n3A_343 : vector<256x128xf32>
    %select_n3A_360 = arith.select %lt3A_359, %add3A_358, %select_n3A_343 : vector<256x128xi1>, vector<256x128xf32>
    %jit3A_361 = arith.constant 20 : i32
    %broadcast_in_dim3A_362 = vector.broadcast %jit3A_361 : i32 to vector<256x128xi32>
    %select_n3A_363 = arith.select %lt3A_359, %broadcast_in_dim3A_362, %select_n3A_346 : vector<256x128xi1>, vector<256x128xi32>
    %get3A_364 = arith.constant 0 : index
    %get3A_365 = arith.constant 2688 : index
    %get3A_366 = vector.load %arg3[%get3A_364, %get3A_365] : memref<32x8192xf32, #tpu.memory_space<vmem>>, vector<32x128xf32>
    %dot_general3A_367 = arith.constant dense<0.000000e+00> : vector<256x128xf32>
    %dot_general3A_368 = tpu.matmul %mul3A_5, %get3A_366, %dot_general3A_367 {dimension_numbers = #tpu.dot_dimension_numbers<[1], [0], [0], [1], [0, 0, 1, 1], [], []>, transpose_lhs_hint = false} : vector<256x32xf32>, vector<32x128xf32>, vector<256x128xf32> -> vector<256x128xf32>
    %add3A_369 = vector.broadcast %broadcast_in_dim3A : vector<256x1xf32> to vector<256x128xf32>
    %add3A_370 = arith.addf %add3A_369, %dot_general3A_368 : vector<256x128xf32>
    %get3A_371 = arith.constant 0 : index
    %get3A_372 = arith.constant 2688 : index
    %get3A_373 = vector.load %arg6[%get3A_371, %get3A_372] : memref<1x8192xf32, #tpu.memory_space<vmem>>, vector<1x128xf32>
    %add3A_374 = vector.broadcast %get3A_373 : vector<1x128xf32> to vector<256x128xf32>
    %add3A_375 = arith.addf %add3A_370, %add3A_374 : vector<256x128xf32>
    %lt3A_376 = arith.cmpf olt, %add3A_375, %select_n3A_360 : vector<256x128xf32>
    %select_n3A_377 = arith.select %lt3A_376, %add3A_375, %select_n3A_360 : vector<256x128xi1>, vector<256x128xf32>
    %jit3A_378 = arith.constant 21 : i32
    %broadcast_in_dim3A_379 = vector.broadcast %jit3A_378 : i32 to vector<256x128xi32>
    %select_n3A_380 = arith.select %lt3A_376, %broadcast_in_dim3A_379, %select_n3A_363 : vector<256x128xi1>, vector<256x128xi32>
    %get3A_381 = arith.constant 0 : index
    %get3A_382 = arith.constant 2816 : index
    %get3A_383 = vector.load %arg3[%get3A_381, %get3A_382] : memref<32x8192xf32, #tpu.memory_space<vmem>>, vector<32x128xf32>
    %dot_general3A_384 = arith.constant dense<0.000000e+00> : vector<256x128xf32>
    %dot_general3A_385 = tpu.matmul %mul3A_5, %get3A_383, %dot_general3A_384 {dimension_numbers = #tpu.dot_dimension_numbers<[1], [0], [0], [1], [0, 0, 1, 1], [], []>, transpose_lhs_hint = false} : vector<256x32xf32>, vector<32x128xf32>, vector<256x128xf32> -> vector<256x128xf32>
    %add3A_386 = vector.broadcast %broadcast_in_dim3A : vector<256x1xf32> to vector<256x128xf32>
    %add3A_387 = arith.addf %add3A_386, %dot_general3A_385 : vector<256x128xf32>
    %get3A_388 = arith.constant 0 : index
    %get3A_389 = arith.constant 2816 : index
    %get3A_390 = vector.load %arg6[%get3A_388, %get3A_389] : memref<1x8192xf32, #tpu.memory_space<vmem>>, vector<1x128xf32>
    %add3A_391 = vector.broadcast %get3A_390 : vector<1x128xf32> to vector<256x128xf32>
    %add3A_392 = arith.addf %add3A_387, %add3A_391 : vector<256x128xf32>
    %lt3A_393 = arith.cmpf olt, %add3A_392, %select_n3A_377 : vector<256x128xf32>
    %select_n3A_394 = arith.select %lt3A_393, %add3A_392, %select_n3A_377 : vector<256x128xi1>, vector<256x128xf32>
    %jit3A_395 = arith.constant 22 : i32
    %broadcast_in_dim3A_396 = vector.broadcast %jit3A_395 : i32 to vector<256x128xi32>
    %select_n3A_397 = arith.select %lt3A_393, %broadcast_in_dim3A_396, %select_n3A_380 : vector<256x128xi1>, vector<256x128xi32>
    %get3A_398 = arith.constant 0 : index
    %get3A_399 = arith.constant 2944 : index
    %get3A_400 = vector.load %arg3[%get3A_398, %get3A_399] : memref<32x8192xf32, #tpu.memory_space<vmem>>, vector<32x128xf32>
    %dot_general3A_401 = arith.constant dense<0.000000e+00> : vector<256x128xf32>
    %dot_general3A_402 = tpu.matmul %mul3A_5, %get3A_400, %dot_general3A_401 {dimension_numbers = #tpu.dot_dimension_numbers<[1], [0], [0], [1], [0, 0, 1, 1], [], []>, transpose_lhs_hint = false} : vector<256x32xf32>, vector<32x128xf32>, vector<256x128xf32> -> vector<256x128xf32>
    %add3A_403 = vector.broadcast %broadcast_in_dim3A : vector<256x1xf32> to vector<256x128xf32>
    %add3A_404 = arith.addf %add3A_403, %dot_general3A_402 : vector<256x128xf32>
    %get3A_405 = arith.constant 0 : index
    %get3A_406 = arith.constant 2944 : index
    %get3A_407 = vector.load %arg6[%get3A_405, %get3A_406] : memref<1x8192xf32, #tpu.memory_space<vmem>>, vector<1x128xf32>
    %add3A_408 = vector.broadcast %get3A_407 : vector<1x128xf32> to vector<256x128xf32>
    %add3A_409 = arith.addf %add3A_404, %add3A_408 : vector<256x128xf32>
    %lt3A_410 = arith.cmpf olt, %add3A_409, %select_n3A_394 : vector<256x128xf32>
    %select_n3A_411 = arith.select %lt3A_410, %add3A_409, %select_n3A_394 : vector<256x128xi1>, vector<256x128xf32>
    %jit3A_412 = arith.constant 23 : i32
    %broadcast_in_dim3A_413 = vector.broadcast %jit3A_412 : i32 to vector<256x128xi32>
    %select_n3A_414 = arith.select %lt3A_410, %broadcast_in_dim3A_413, %select_n3A_397 : vector<256x128xi1>, vector<256x128xi32>
    %get3A_415 = arith.constant 0 : index
    %get3A_416 = arith.constant 3072 : index
    %get3A_417 = vector.load %arg3[%get3A_415, %get3A_416] : memref<32x8192xf32, #tpu.memory_space<vmem>>, vector<32x128xf32>
    %dot_general3A_418 = arith.constant dense<0.000000e+00> : vector<256x128xf32>
    %dot_general3A_419 = tpu.matmul %mul3A_5, %get3A_417, %dot_general3A_418 {dimension_numbers = #tpu.dot_dimension_numbers<[1], [0], [0], [1], [0, 0, 1, 1], [], []>, transpose_lhs_hint = false} : vector<256x32xf32>, vector<32x128xf32>, vector<256x128xf32> -> vector<256x128xf32>
    %add3A_420 = vector.broadcast %broadcast_in_dim3A : vector<256x1xf32> to vector<256x128xf32>
    %add3A_421 = arith.addf %add3A_420, %dot_general3A_419 : vector<256x128xf32>
    %get3A_422 = arith.constant 0 : index
    %get3A_423 = arith.constant 3072 : index
    %get3A_424 = vector.load %arg6[%get3A_422, %get3A_423] : memref<1x8192xf32, #tpu.memory_space<vmem>>, vector<1x128xf32>
    %add3A_425 = vector.broadcast %get3A_424 : vector<1x128xf32> to vector<256x128xf32>
    %add3A_426 = arith.addf %add3A_421, %add3A_425 : vector<256x128xf32>
    %lt3A_427 = arith.cmpf olt, %add3A_426, %select_n3A_411 : vector<256x128xf32>
    %select_n3A_428 = arith.select %lt3A_427, %add3A_426, %select_n3A_411 : vector<256x128xi1>, vector<256x128xf32>
    %jit3A_429 = arith.constant 24 : i32
    %broadcast_in_dim3A_430 = vector.broadcast %jit3A_429 : i32 to vector<256x128xi32>
    %select_n3A_431 = arith.select %lt3A_427, %broadcast_in_dim3A_430, %select_n3A_414 : vector<256x128xi1>, vector<256x128xi32>
    %get3A_432 = arith.constant 0 : index
    %get3A_433 = arith.constant 3200 : index
    %get3A_434 = vector.load %arg3[%get3A_432, %get3A_433] : memref<32x8192xf32, #tpu.memory_space<vmem>>, vector<32x128xf32>
    %dot_general3A_435 = arith.constant dense<0.000000e+00> : vector<256x128xf32>
    %dot_general3A_436 = tpu.matmul %mul3A_5, %get3A_434, %dot_general3A_435 {dimension_numbers = #tpu.dot_dimension_numbers<[1], [0], [0], [1], [0, 0, 1, 1], [], []>, transpose_lhs_hint = false} : vector<256x32xf32>, vector<32x128xf32>, vector<256x128xf32> -> vector<256x128xf32>
    %add3A_437 = vector.broadcast %broadcast_in_dim3A : vector<256x1xf32> to vector<256x128xf32>
    %add3A_438 = arith.addf %add3A_437, %dot_general3A_436 : vector<256x128xf32>
    %get3A_439 = arith.constant 0 : index
    %get3A_440 = arith.constant 3200 : index
    %get3A_441 = vector.load %arg6[%get3A_439, %get3A_440] : memref<1x8192xf32, #tpu.memory_space<vmem>>, vector<1x128xf32>
    %add3A_442 = vector.broadcast %get3A_441 : vector<1x128xf32> to vector<256x128xf32>
    %add3A_443 = arith.addf %add3A_438, %add3A_442 : vector<256x128xf32>
    %lt3A_444 = arith.cmpf olt, %add3A_443, %select_n3A_428 : vector<256x128xf32>
    %select_n3A_445 = arith.select %lt3A_444, %add3A_443, %select_n3A_428 : vector<256x128xi1>, vector<256x128xf32>
    %jit3A_446 = arith.constant 25 : i32
    %broadcast_in_dim3A_447 = vector.broadcast %jit3A_446 : i32 to vector<256x128xi32>
    %select_n3A_448 = arith.select %lt3A_444, %broadcast_in_dim3A_447, %select_n3A_431 : vector<256x128xi1>, vector<256x128xi32>
    %get3A_449 = arith.constant 0 : index
    %get3A_450 = arith.constant 3328 : index
    %get3A_451 = vector.load %arg3[%get3A_449, %get3A_450] : memref<32x8192xf32, #tpu.memory_space<vmem>>, vector<32x128xf32>
    %dot_general3A_452 = arith.constant dense<0.000000e+00> : vector<256x128xf32>
    %dot_general3A_453 = tpu.matmul %mul3A_5, %get3A_451, %dot_general3A_452 {dimension_numbers = #tpu.dot_dimension_numbers<[1], [0], [0], [1], [0, 0, 1, 1], [], []>, transpose_lhs_hint = false} : vector<256x32xf32>, vector<32x128xf32>, vector<256x128xf32> -> vector<256x128xf32>
    %add3A_454 = vector.broadcast %broadcast_in_dim3A : vector<256x1xf32> to vector<256x128xf32>
    %add3A_455 = arith.addf %add3A_454, %dot_general3A_453 : vector<256x128xf32>
    %get3A_456 = arith.constant 0 : index
    %get3A_457 = arith.constant 3328 : index
    %get3A_458 = vector.load %arg6[%get3A_456, %get3A_457] : memref<1x8192xf32, #tpu.memory_space<vmem>>, vector<1x128xf32>
    %add3A_459 = vector.broadcast %get3A_458 : vector<1x128xf32> to vector<256x128xf32>
    %add3A_460 = arith.addf %add3A_455, %add3A_459 : vector<256x128xf32>
    %lt3A_461 = arith.cmpf olt, %add3A_460, %select_n3A_445 : vector<256x128xf32>
    %select_n3A_462 = arith.select %lt3A_461, %add3A_460, %select_n3A_445 : vector<256x128xi1>, vector<256x128xf32>
    %jit3A_463 = arith.constant 26 : i32
    %broadcast_in_dim3A_464 = vector.broadcast %jit3A_463 : i32 to vector<256x128xi32>
    %select_n3A_465 = arith.select %lt3A_461, %broadcast_in_dim3A_464, %select_n3A_448 : vector<256x128xi1>, vector<256x128xi32>
    %get3A_466 = arith.constant 0 : index
    %get3A_467 = arith.constant 3456 : index
    %get3A_468 = vector.load %arg3[%get3A_466, %get3A_467] : memref<32x8192xf32, #tpu.memory_space<vmem>>, vector<32x128xf32>
    %dot_general3A_469 = arith.constant dense<0.000000e+00> : vector<256x128xf32>
    %dot_general3A_470 = tpu.matmul %mul3A_5, %get3A_468, %dot_general3A_469 {dimension_numbers = #tpu.dot_dimension_numbers<[1], [0], [0], [1], [0, 0, 1, 1], [], []>, transpose_lhs_hint = false} : vector<256x32xf32>, vector<32x128xf32>, vector<256x128xf32> -> vector<256x128xf32>
    %add3A_471 = vector.broadcast %broadcast_in_dim3A : vector<256x1xf32> to vector<256x128xf32>
    %add3A_472 = arith.addf %add3A_471, %dot_general3A_470 : vector<256x128xf32>
    %get3A_473 = arith.constant 0 : index
    %get3A_474 = arith.constant 3456 : index
    %get3A_475 = vector.load %arg6[%get3A_473, %get3A_474] : memref<1x8192xf32, #tpu.memory_space<vmem>>, vector<1x128xf32>
    %add3A_476 = vector.broadcast %get3A_475 : vector<1x128xf32> to vector<256x128xf32>
    %add3A_477 = arith.addf %add3A_472, %add3A_476 : vector<256x128xf32>
    %lt3A_478 = arith.cmpf olt, %add3A_477, %select_n3A_462 : vector<256x128xf32>
    %select_n3A_479 = arith.select %lt3A_478, %add3A_477, %select_n3A_462 : vector<256x128xi1>, vector<256x128xf32>
    %jit3A_480 = arith.constant 27 : i32
    %broadcast_in_dim3A_481 = vector.broadcast %jit3A_480 : i32 to vector<256x128xi32>
    %select_n3A_482 = arith.select %lt3A_478, %broadcast_in_dim3A_481, %select_n3A_465 : vector<256x128xi1>, vector<256x128xi32>
    %get3A_483 = arith.constant 0 : index
    %get3A_484 = arith.constant 3584 : index
    %get3A_485 = vector.load %arg3[%get3A_483, %get3A_484] : memref<32x8192xf32, #tpu.memory_space<vmem>>, vector<32x128xf32>
    %dot_general3A_486 = arith.constant dense<0.000000e+00> : vector<256x128xf32>
    %dot_general3A_487 = tpu.matmul %mul3A_5, %get3A_485, %dot_general3A_486 {dimension_numbers = #tpu.dot_dimension_numbers<[1], [0], [0], [1], [0, 0, 1, 1], [], []>, transpose_lhs_hint = false} : vector<256x32xf32>, vector<32x128xf32>, vector<256x128xf32> -> vector<256x128xf32>
    %add3A_488 = vector.broadcast %broadcast_in_dim3A : vector<256x1xf32> to vector<256x128xf32>
    %add3A_489 = arith.addf %add3A_488, %dot_general3A_487 : vector<256x128xf32>
    %get3A_490 = arith.constant 0 : index
    %get3A_491 = arith.constant 3584 : index
    %get3A_492 = vector.load %arg6[%get3A_490, %get3A_491] : memref<1x8192xf32, #tpu.memory_space<vmem>>, vector<1x128xf32>
    %add3A_493 = vector.broadcast %get3A_492 : vector<1x128xf32> to vector<256x128xf32>
    %add3A_494 = arith.addf %add3A_489, %add3A_493 : vector<256x128xf32>
    %lt3A_495 = arith.cmpf olt, %add3A_494, %select_n3A_479 : vector<256x128xf32>
    %select_n3A_496 = arith.select %lt3A_495, %add3A_494, %select_n3A_479 : vector<256x128xi1>, vector<256x128xf32>
    %jit3A_497 = arith.constant 28 : i32
    %broadcast_in_dim3A_498 = vector.broadcast %jit3A_497 : i32 to vector<256x128xi32>
    %select_n3A_499 = arith.select %lt3A_495, %broadcast_in_dim3A_498, %select_n3A_482 : vector<256x128xi1>, vector<256x128xi32>
    %get3A_500 = arith.constant 0 : index
    %get3A_501 = arith.constant 3712 : index
    %get3A_502 = vector.load %arg3[%get3A_500, %get3A_501] : memref<32x8192xf32, #tpu.memory_space<vmem>>, vector<32x128xf32>
    %dot_general3A_503 = arith.constant dense<0.000000e+00> : vector<256x128xf32>
    %dot_general3A_504 = tpu.matmul %mul3A_5, %get3A_502, %dot_general3A_503 {dimension_numbers = #tpu.dot_dimension_numbers<[1], [0], [0], [1], [0, 0, 1, 1], [], []>, transpose_lhs_hint = false} : vector<256x32xf32>, vector<32x128xf32>, vector<256x128xf32> -> vector<256x128xf32>
    %add3A_505 = vector.broadcast %broadcast_in_dim3A : vector<256x1xf32> to vector<256x128xf32>
    %add3A_506 = arith.addf %add3A_505, %dot_general3A_504 : vector<256x128xf32>
    %get3A_507 = arith.constant 0 : index
    %get3A_508 = arith.constant 3712 : index
    %get3A_509 = vector.load %arg6[%get3A_507, %get3A_508] : memref<1x8192xf32, #tpu.memory_space<vmem>>, vector<1x128xf32>
    %add3A_510 = vector.broadcast %get3A_509 : vector<1x128xf32> to vector<256x128xf32>
    %add3A_511 = arith.addf %add3A_506, %add3A_510 : vector<256x128xf32>
    %lt3A_512 = arith.cmpf olt, %add3A_511, %select_n3A_496 : vector<256x128xf32>
    %select_n3A_513 = arith.select %lt3A_512, %add3A_511, %select_n3A_496 : vector<256x128xi1>, vector<256x128xf32>
    %jit3A_514 = arith.constant 29 : i32
    %broadcast_in_dim3A_515 = vector.broadcast %jit3A_514 : i32 to vector<256x128xi32>
    %select_n3A_516 = arith.select %lt3A_512, %broadcast_in_dim3A_515, %select_n3A_499 : vector<256x128xi1>, vector<256x128xi32>
    %get3A_517 = arith.constant 0 : index
    %get3A_518 = arith.constant 3840 : index
    %get3A_519 = vector.load %arg3[%get3A_517, %get3A_518] : memref<32x8192xf32, #tpu.memory_space<vmem>>, vector<32x128xf32>
    %dot_general3A_520 = arith.constant dense<0.000000e+00> : vector<256x128xf32>
    %dot_general3A_521 = tpu.matmul %mul3A_5, %get3A_519, %dot_general3A_520 {dimension_numbers = #tpu.dot_dimension_numbers<[1], [0], [0], [1], [0, 0, 1, 1], [], []>, transpose_lhs_hint = false} : vector<256x32xf32>, vector<32x128xf32>, vector<256x128xf32> -> vector<256x128xf32>
    %add3A_522 = vector.broadcast %broadcast_in_dim3A : vector<256x1xf32> to vector<256x128xf32>
    %add3A_523 = arith.addf %add3A_522, %dot_general3A_521 : vector<256x128xf32>
    %get3A_524 = arith.constant 0 : index
    %get3A_525 = arith.constant 3840 : index
    %get3A_526 = vector.load %arg6[%get3A_524, %get3A_525] : memref<1x8192xf32, #tpu.memory_space<vmem>>, vector<1x128xf32>
    %add3A_527 = vector.broadcast %get3A_526 : vector<1x128xf32> to vector<256x128xf32>
    %add3A_528 = arith.addf %add3A_523, %add3A_527 : vector<256x128xf32>
    %lt3A_529 = arith.cmpf olt, %add3A_528, %select_n3A_513 : vector<256x128xf32>
    %select_n3A_530 = arith.select %lt3A_529, %add3A_528, %select_n3A_513 : vector<256x128xi1>, vector<256x128xf32>
    %jit3A_531 = arith.constant 30 : i32
    %broadcast_in_dim3A_532 = vector.broadcast %jit3A_531 : i32 to vector<256x128xi32>
    %select_n3A_533 = arith.select %lt3A_529, %broadcast_in_dim3A_532, %select_n3A_516 : vector<256x128xi1>, vector<256x128xi32>
    %get3A_534 = arith.constant 0 : index
    %get3A_535 = arith.constant 3968 : index
    %get3A_536 = vector.load %arg3[%get3A_534, %get3A_535] : memref<32x8192xf32, #tpu.memory_space<vmem>>, vector<32x128xf32>
    %dot_general3A_537 = arith.constant dense<0.000000e+00> : vector<256x128xf32>
    %dot_general3A_538 = tpu.matmul %mul3A_5, %get3A_536, %dot_general3A_537 {dimension_numbers = #tpu.dot_dimension_numbers<[1], [0], [0], [1], [0, 0, 1, 1], [], []>, transpose_lhs_hint = false} : vector<256x32xf32>, vector<32x128xf32>, vector<256x128xf32> -> vector<256x128xf32>
    %add3A_539 = vector.broadcast %broadcast_in_dim3A : vector<256x1xf32> to vector<256x128xf32>
    %add3A_540 = arith.addf %add3A_539, %dot_general3A_538 : vector<256x128xf32>
    %get3A_541 = arith.constant 0 : index
    %get3A_542 = arith.constant 3968 : index
    %get3A_543 = vector.load %arg6[%get3A_541, %get3A_542] : memref<1x8192xf32, #tpu.memory_space<vmem>>, vector<1x128xf32>
    %add3A_544 = vector.broadcast %get3A_543 : vector<1x128xf32> to vector<256x128xf32>
    %add3A_545 = arith.addf %add3A_540, %add3A_544 : vector<256x128xf32>
    %lt3A_546 = arith.cmpf olt, %add3A_545, %select_n3A_530 : vector<256x128xf32>
    %select_n3A_547 = arith.select %lt3A_546, %add3A_545, %select_n3A_530 : vector<256x128xi1>, vector<256x128xf32>
    %jit3A_548 = arith.constant 31 : i32
    %broadcast_in_dim3A_549 = vector.broadcast %jit3A_548 : i32 to vector<256x128xi32>
    %select_n3A_550 = arith.select %lt3A_546, %broadcast_in_dim3A_549, %select_n3A_533 : vector<256x128xi1>, vector<256x128xi32>
    %get3A_551 = arith.constant 0 : index
    %get3A_552 = arith.constant 4096 : index
    %get3A_553 = vector.load %arg3[%get3A_551, %get3A_552] : memref<32x8192xf32, #tpu.memory_space<vmem>>, vector<32x128xf32>
    %dot_general3A_554 = arith.constant dense<0.000000e+00> : vector<256x128xf32>
    %dot_general3A_555 = tpu.matmul %mul3A_5, %get3A_553, %dot_general3A_554 {dimension_numbers = #tpu.dot_dimension_numbers<[1], [0], [0], [1], [0, 0, 1, 1], [], []>, transpose_lhs_hint = false} : vector<256x32xf32>, vector<32x128xf32>, vector<256x128xf32> -> vector<256x128xf32>
    %add3A_556 = vector.broadcast %broadcast_in_dim3A : vector<256x1xf32> to vector<256x128xf32>
    %add3A_557 = arith.addf %add3A_556, %dot_general3A_555 : vector<256x128xf32>
    %get3A_558 = arith.constant 0 : index
    %get3A_559 = arith.constant 4096 : index
    %get3A_560 = vector.load %arg6[%get3A_558, %get3A_559] : memref<1x8192xf32, #tpu.memory_space<vmem>>, vector<1x128xf32>
    %add3A_561 = vector.broadcast %get3A_560 : vector<1x128xf32> to vector<256x128xf32>
    %add3A_562 = arith.addf %add3A_557, %add3A_561 : vector<256x128xf32>
    %lt3A_563 = arith.cmpf olt, %add3A_562, %select_n3A_547 : vector<256x128xf32>
    %select_n3A_564 = arith.select %lt3A_563, %add3A_562, %select_n3A_547 : vector<256x128xi1>, vector<256x128xf32>
    %jit3A_565 = arith.constant 32 : i32
    %broadcast_in_dim3A_566 = vector.broadcast %jit3A_565 : i32 to vector<256x128xi32>
    %select_n3A_567 = arith.select %lt3A_563, %broadcast_in_dim3A_566, %select_n3A_550 : vector<256x128xi1>, vector<256x128xi32>
    %get3A_568 = arith.constant 0 : index
    %get3A_569 = arith.constant 4224 : index
    %get3A_570 = vector.load %arg3[%get3A_568, %get3A_569] : memref<32x8192xf32, #tpu.memory_space<vmem>>, vector<32x128xf32>
    %dot_general3A_571 = arith.constant dense<0.000000e+00> : vector<256x128xf32>
    %dot_general3A_572 = tpu.matmul %mul3A_5, %get3A_570, %dot_general3A_571 {dimension_numbers = #tpu.dot_dimension_numbers<[1], [0], [0], [1], [0, 0, 1, 1], [], []>, transpose_lhs_hint = false} : vector<256x32xf32>, vector<32x128xf32>, vector<256x128xf32> -> vector<256x128xf32>
    %add3A_573 = vector.broadcast %broadcast_in_dim3A : vector<256x1xf32> to vector<256x128xf32>
    %add3A_574 = arith.addf %add3A_573, %dot_general3A_572 : vector<256x128xf32>
    %get3A_575 = arith.constant 0 : index
    %get3A_576 = arith.constant 4224 : index
    %get3A_577 = vector.load %arg6[%get3A_575, %get3A_576] : memref<1x8192xf32, #tpu.memory_space<vmem>>, vector<1x128xf32>
    %add3A_578 = vector.broadcast %get3A_577 : vector<1x128xf32> to vector<256x128xf32>
    %add3A_579 = arith.addf %add3A_574, %add3A_578 : vector<256x128xf32>
    %lt3A_580 = arith.cmpf olt, %add3A_579, %select_n3A_564 : vector<256x128xf32>
    %select_n3A_581 = arith.select %lt3A_580, %add3A_579, %select_n3A_564 : vector<256x128xi1>, vector<256x128xf32>
    %jit3A_582 = arith.constant 33 : i32
    %broadcast_in_dim3A_583 = vector.broadcast %jit3A_582 : i32 to vector<256x128xi32>
    %select_n3A_584 = arith.select %lt3A_580, %broadcast_in_dim3A_583, %select_n3A_567 : vector<256x128xi1>, vector<256x128xi32>
    %get3A_585 = arith.constant 0 : index
    %get3A_586 = arith.constant 4352 : index
    %get3A_587 = vector.load %arg3[%get3A_585, %get3A_586] : memref<32x8192xf32, #tpu.memory_space<vmem>>, vector<32x128xf32>
    %dot_general3A_588 = arith.constant dense<0.000000e+00> : vector<256x128xf32>
    %dot_general3A_589 = tpu.matmul %mul3A_5, %get3A_587, %dot_general3A_588 {dimension_numbers = #tpu.dot_dimension_numbers<[1], [0], [0], [1], [0, 0, 1, 1], [], []>, transpose_lhs_hint = false} : vector<256x32xf32>, vector<32x128xf32>, vector<256x128xf32> -> vector<256x128xf32>
    %add3A_590 = vector.broadcast %broadcast_in_dim3A : vector<256x1xf32> to vector<256x128xf32>
    %add3A_591 = arith.addf %add3A_590, %dot_general3A_589 : vector<256x128xf32>
    %get3A_592 = arith.constant 0 : index
    %get3A_593 = arith.constant 4352 : index
    %get3A_594 = vector.load %arg6[%get3A_592, %get3A_593] : memref<1x8192xf32, #tpu.memory_space<vmem>>, vector<1x128xf32>
    %add3A_595 = vector.broadcast %get3A_594 : vector<1x128xf32> to vector<256x128xf32>
    %add3A_596 = arith.addf %add3A_591, %add3A_595 : vector<256x128xf32>
    %lt3A_597 = arith.cmpf olt, %add3A_596, %select_n3A_581 : vector<256x128xf32>
    %select_n3A_598 = arith.select %lt3A_597, %add3A_596, %select_n3A_581 : vector<256x128xi1>, vector<256x128xf32>
    %jit3A_599 = arith.constant 34 : i32
    %broadcast_in_dim3A_600 = vector.broadcast %jit3A_599 : i32 to vector<256x128xi32>
    %select_n3A_601 = arith.select %lt3A_597, %broadcast_in_dim3A_600, %select_n3A_584 : vector<256x128xi1>, vector<256x128xi32>
    %get3A_602 = arith.constant 0 : index
    %get3A_603 = arith.constant 4480 : index
    %get3A_604 = vector.load %arg3[%get3A_602, %get3A_603] : memref<32x8192xf32, #tpu.memory_space<vmem>>, vector<32x128xf32>
    %dot_general3A_605 = arith.constant dense<0.000000e+00> : vector<256x128xf32>
    %dot_general3A_606 = tpu.matmul %mul3A_5, %get3A_604, %dot_general3A_605 {dimension_numbers = #tpu.dot_dimension_numbers<[1], [0], [0], [1], [0, 0, 1, 1], [], []>, transpose_lhs_hint = false} : vector<256x32xf32>, vector<32x128xf32>, vector<256x128xf32> -> vector<256x128xf32>
    %add3A_607 = vector.broadcast %broadcast_in_dim3A : vector<256x1xf32> to vector<256x128xf32>
    %add3A_608 = arith.addf %add3A_607, %dot_general3A_606 : vector<256x128xf32>
    %get3A_609 = arith.constant 0 : index
    %get3A_610 = arith.constant 4480 : index
    %get3A_611 = vector.load %arg6[%get3A_609, %get3A_610] : memref<1x8192xf32, #tpu.memory_space<vmem>>, vector<1x128xf32>
    %add3A_612 = vector.broadcast %get3A_611 : vector<1x128xf32> to vector<256x128xf32>
    %add3A_613 = arith.addf %add3A_608, %add3A_612 : vector<256x128xf32>
    %lt3A_614 = arith.cmpf olt, %add3A_613, %select_n3A_598 : vector<256x128xf32>
    %select_n3A_615 = arith.select %lt3A_614, %add3A_613, %select_n3A_598 : vector<256x128xi1>, vector<256x128xf32>
    %jit3A_616 = arith.constant 35 : i32
    %broadcast_in_dim3A_617 = vector.broadcast %jit3A_616 : i32 to vector<256x128xi32>
    %select_n3A_618 = arith.select %lt3A_614, %broadcast_in_dim3A_617, %select_n3A_601 : vector<256x128xi1>, vector<256x128xi32>
    %get3A_619 = arith.constant 0 : index
    %get3A_620 = arith.constant 4608 : index
    %get3A_621 = vector.load %arg3[%get3A_619, %get3A_620] : memref<32x8192xf32, #tpu.memory_space<vmem>>, vector<32x128xf32>
    %dot_general3A_622 = arith.constant dense<0.000000e+00> : vector<256x128xf32>
    %dot_general3A_623 = tpu.matmul %mul3A_5, %get3A_621, %dot_general3A_622 {dimension_numbers = #tpu.dot_dimension_numbers<[1], [0], [0], [1], [0, 0, 1, 1], [], []>, transpose_lhs_hint = false} : vector<256x32xf32>, vector<32x128xf32>, vector<256x128xf32> -> vector<256x128xf32>
    %add3A_624 = vector.broadcast %broadcast_in_dim3A : vector<256x1xf32> to vector<256x128xf32>
    %add3A_625 = arith.addf %add3A_624, %dot_general3A_623 : vector<256x128xf32>
    %get3A_626 = arith.constant 0 : index
    %get3A_627 = arith.constant 4608 : index
    %get3A_628 = vector.load %arg6[%get3A_626, %get3A_627] : memref<1x8192xf32, #tpu.memory_space<vmem>>, vector<1x128xf32>
    %add3A_629 = vector.broadcast %get3A_628 : vector<1x128xf32> to vector<256x128xf32>
    %add3A_630 = arith.addf %add3A_625, %add3A_629 : vector<256x128xf32>
    %lt3A_631 = arith.cmpf olt, %add3A_630, %select_n3A_615 : vector<256x128xf32>
    %select_n3A_632 = arith.select %lt3A_631, %add3A_630, %select_n3A_615 : vector<256x128xi1>, vector<256x128xf32>
    %jit3A_633 = arith.constant 36 : i32
    %broadcast_in_dim3A_634 = vector.broadcast %jit3A_633 : i32 to vector<256x128xi32>
    %select_n3A_635 = arith.select %lt3A_631, %broadcast_in_dim3A_634, %select_n3A_618 : vector<256x128xi1>, vector<256x128xi32>
    %get3A_636 = arith.constant 0 : index
    %get3A_637 = arith.constant 4736 : index
    %get3A_638 = vector.load %arg3[%get3A_636, %get3A_637] : memref<32x8192xf32, #tpu.memory_space<vmem>>, vector<32x128xf32>
    %dot_general3A_639 = arith.constant dense<0.000000e+00> : vector<256x128xf32>
    %dot_general3A_640 = tpu.matmul %mul3A_5, %get3A_638, %dot_general3A_639 {dimension_numbers = #tpu.dot_dimension_numbers<[1], [0], [0], [1], [0, 0, 1, 1], [], []>, transpose_lhs_hint = false} : vector<256x32xf32>, vector<32x128xf32>, vector<256x128xf32> -> vector<256x128xf32>
    %add3A_641 = vector.broadcast %broadcast_in_dim3A : vector<256x1xf32> to vector<256x128xf32>
    %add3A_642 = arith.addf %add3A_641, %dot_general3A_640 : vector<256x128xf32>
    %get3A_643 = arith.constant 0 : index
    %get3A_644 = arith.constant 4736 : index
    %get3A_645 = vector.load %arg6[%get3A_643, %get3A_644] : memref<1x8192xf32, #tpu.memory_space<vmem>>, vector<1x128xf32>
    %add3A_646 = vector.broadcast %get3A_645 : vector<1x128xf32> to vector<256x128xf32>
    %add3A_647 = arith.addf %add3A_642, %add3A_646 : vector<256x128xf32>
    %lt3A_648 = arith.cmpf olt, %add3A_647, %select_n3A_632 : vector<256x128xf32>
    %select_n3A_649 = arith.select %lt3A_648, %add3A_647, %select_n3A_632 : vector<256x128xi1>, vector<256x128xf32>
    %jit3A_650 = arith.constant 37 : i32
    %broadcast_in_dim3A_651 = vector.broadcast %jit3A_650 : i32 to vector<256x128xi32>
    %select_n3A_652 = arith.select %lt3A_648, %broadcast_in_dim3A_651, %select_n3A_635 : vector<256x128xi1>, vector<256x128xi32>
    %get3A_653 = arith.constant 0 : index
    %get3A_654 = arith.constant 4864 : index
    %get3A_655 = vector.load %arg3[%get3A_653, %get3A_654] : memref<32x8192xf32, #tpu.memory_space<vmem>>, vector<32x128xf32>
    %dot_general3A_656 = arith.constant dense<0.000000e+00> : vector<256x128xf32>
    %dot_general3A_657 = tpu.matmul %mul3A_5, %get3A_655, %dot_general3A_656 {dimension_numbers = #tpu.dot_dimension_numbers<[1], [0], [0], [1], [0, 0, 1, 1], [], []>, transpose_lhs_hint = false} : vector<256x32xf32>, vector<32x128xf32>, vector<256x128xf32> -> vector<256x128xf32>
    %add3A_658 = vector.broadcast %broadcast_in_dim3A : vector<256x1xf32> to vector<256x128xf32>
    %add3A_659 = arith.addf %add3A_658, %dot_general3A_657 : vector<256x128xf32>
    %get3A_660 = arith.constant 0 : index
    %get3A_661 = arith.constant 4864 : index
    %get3A_662 = vector.load %arg6[%get3A_660, %get3A_661] : memref<1x8192xf32, #tpu.memory_space<vmem>>, vector<1x128xf32>
    %add3A_663 = vector.broadcast %get3A_662 : vector<1x128xf32> to vector<256x128xf32>
    %add3A_664 = arith.addf %add3A_659, %add3A_663 : vector<256x128xf32>
    %lt3A_665 = arith.cmpf olt, %add3A_664, %select_n3A_649 : vector<256x128xf32>
    %select_n3A_666 = arith.select %lt3A_665, %add3A_664, %select_n3A_649 : vector<256x128xi1>, vector<256x128xf32>
    %jit3A_667 = arith.constant 38 : i32
    %broadcast_in_dim3A_668 = vector.broadcast %jit3A_667 : i32 to vector<256x128xi32>
    %select_n3A_669 = arith.select %lt3A_665, %broadcast_in_dim3A_668, %select_n3A_652 : vector<256x128xi1>, vector<256x128xi32>
    %get3A_670 = arith.constant 0 : index
    %get3A_671 = arith.constant 4992 : index
    %get3A_672 = vector.load %arg3[%get3A_670, %get3A_671] : memref<32x8192xf32, #tpu.memory_space<vmem>>, vector<32x128xf32>
    %dot_general3A_673 = arith.constant dense<0.000000e+00> : vector<256x128xf32>
    %dot_general3A_674 = tpu.matmul %mul3A_5, %get3A_672, %dot_general3A_673 {dimension_numbers = #tpu.dot_dimension_numbers<[1], [0], [0], [1], [0, 0, 1, 1], [], []>, transpose_lhs_hint = false} : vector<256x32xf32>, vector<32x128xf32>, vector<256x128xf32> -> vector<256x128xf32>
    %add3A_675 = vector.broadcast %broadcast_in_dim3A : vector<256x1xf32> to vector<256x128xf32>
    %add3A_676 = arith.addf %add3A_675, %dot_general3A_674 : vector<256x128xf32>
    %get3A_677 = arith.constant 0 : index
    %get3A_678 = arith.constant 4992 : index
    %get3A_679 = vector.load %arg6[%get3A_677, %get3A_678] : memref<1x8192xf32, #tpu.memory_space<vmem>>, vector<1x128xf32>
    %add3A_680 = vector.broadcast %get3A_679 : vector<1x128xf32> to vector<256x128xf32>
    %add3A_681 = arith.addf %add3A_676, %add3A_680 : vector<256x128xf32>
    %lt3A_682 = arith.cmpf olt, %add3A_681, %select_n3A_666 : vector<256x128xf32>
    %select_n3A_683 = arith.select %lt3A_682, %add3A_681, %select_n3A_666 : vector<256x128xi1>, vector<256x128xf32>
    %jit3A_684 = arith.constant 39 : i32
    %broadcast_in_dim3A_685 = vector.broadcast %jit3A_684 : i32 to vector<256x128xi32>
    %select_n3A_686 = arith.select %lt3A_682, %broadcast_in_dim3A_685, %select_n3A_669 : vector<256x128xi1>, vector<256x128xi32>
    %get3A_687 = arith.constant 0 : index
    %get3A_688 = arith.constant 5120 : index
    %get3A_689 = vector.load %arg3[%get3A_687, %get3A_688] : memref<32x8192xf32, #tpu.memory_space<vmem>>, vector<32x128xf32>
    %dot_general3A_690 = arith.constant dense<0.000000e+00> : vector<256x128xf32>
    %dot_general3A_691 = tpu.matmul %mul3A_5, %get3A_689, %dot_general3A_690 {dimension_numbers = #tpu.dot_dimension_numbers<[1], [0], [0], [1], [0, 0, 1, 1], [], []>, transpose_lhs_hint = false} : vector<256x32xf32>, vector<32x128xf32>, vector<256x128xf32> -> vector<256x128xf32>
    %add3A_692 = vector.broadcast %broadcast_in_dim3A : vector<256x1xf32> to vector<256x128xf32>
    %add3A_693 = arith.addf %add3A_692, %dot_general3A_691 : vector<256x128xf32>
    %get3A_694 = arith.constant 0 : index
    %get3A_695 = arith.constant 5120 : index
    %get3A_696 = vector.load %arg6[%get3A_694, %get3A_695] : memref<1x8192xf32, #tpu.memory_space<vmem>>, vector<1x128xf32>
    %add3A_697 = vector.broadcast %get3A_696 : vector<1x128xf32> to vector<256x128xf32>
    %add3A_698 = arith.addf %add3A_693, %add3A_697 : vector<256x128xf32>
    %lt3A_699 = arith.cmpf olt, %add3A_698, %select_n3A_683 : vector<256x128xf32>
    %select_n3A_700 = arith.select %lt3A_699, %add3A_698, %select_n3A_683 : vector<256x128xi1>, vector<256x128xf32>
    %jit3A_701 = arith.constant 40 : i32
    %broadcast_in_dim3A_702 = vector.broadcast %jit3A_701 : i32 to vector<256x128xi32>
    %select_n3A_703 = arith.select %lt3A_699, %broadcast_in_dim3A_702, %select_n3A_686 : vector<256x128xi1>, vector<256x128xi32>
    %get3A_704 = arith.constant 0 : index
    %get3A_705 = arith.constant 5248 : index
    %get3A_706 = vector.load %arg3[%get3A_704, %get3A_705] : memref<32x8192xf32, #tpu.memory_space<vmem>>, vector<32x128xf32>
    %dot_general3A_707 = arith.constant dense<0.000000e+00> : vector<256x128xf32>
    %dot_general3A_708 = tpu.matmul %mul3A_5, %get3A_706, %dot_general3A_707 {dimension_numbers = #tpu.dot_dimension_numbers<[1], [0], [0], [1], [0, 0, 1, 1], [], []>, transpose_lhs_hint = false} : vector<256x32xf32>, vector<32x128xf32>, vector<256x128xf32> -> vector<256x128xf32>
    %add3A_709 = vector.broadcast %broadcast_in_dim3A : vector<256x1xf32> to vector<256x128xf32>
    %add3A_710 = arith.addf %add3A_709, %dot_general3A_708 : vector<256x128xf32>
    %get3A_711 = arith.constant 0 : index
    %get3A_712 = arith.constant 5248 : index
    %get3A_713 = vector.load %arg6[%get3A_711, %get3A_712] : memref<1x8192xf32, #tpu.memory_space<vmem>>, vector<1x128xf32>
    %add3A_714 = vector.broadcast %get3A_713 : vector<1x128xf32> to vector<256x128xf32>
    %add3A_715 = arith.addf %add3A_710, %add3A_714 : vector<256x128xf32>
    %lt3A_716 = arith.cmpf olt, %add3A_715, %select_n3A_700 : vector<256x128xf32>
    %select_n3A_717 = arith.select %lt3A_716, %add3A_715, %select_n3A_700 : vector<256x128xi1>, vector<256x128xf32>
    %jit3A_718 = arith.constant 41 : i32
    %broadcast_in_dim3A_719 = vector.broadcast %jit3A_718 : i32 to vector<256x128xi32>
    %select_n3A_720 = arith.select %lt3A_716, %broadcast_in_dim3A_719, %select_n3A_703 : vector<256x128xi1>, vector<256x128xi32>
    %get3A_721 = arith.constant 0 : index
    %get3A_722 = arith.constant 5376 : index
    %get3A_723 = vector.load %arg3[%get3A_721, %get3A_722] : memref<32x8192xf32, #tpu.memory_space<vmem>>, vector<32x128xf32>
    %dot_general3A_724 = arith.constant dense<0.000000e+00> : vector<256x128xf32>
    %dot_general3A_725 = tpu.matmul %mul3A_5, %get3A_723, %dot_general3A_724 {dimension_numbers = #tpu.dot_dimension_numbers<[1], [0], [0], [1], [0, 0, 1, 1], [], []>, transpose_lhs_hint = false} : vector<256x32xf32>, vector<32x128xf32>, vector<256x128xf32> -> vector<256x128xf32>
    %add3A_726 = vector.broadcast %broadcast_in_dim3A : vector<256x1xf32> to vector<256x128xf32>
    %add3A_727 = arith.addf %add3A_726, %dot_general3A_725 : vector<256x128xf32>
    %get3A_728 = arith.constant 0 : index
    %get3A_729 = arith.constant 5376 : index
    %get3A_730 = vector.load %arg6[%get3A_728, %get3A_729] : memref<1x8192xf32, #tpu.memory_space<vmem>>, vector<1x128xf32>
    %add3A_731 = vector.broadcast %get3A_730 : vector<1x128xf32> to vector<256x128xf32>
    %add3A_732 = arith.addf %add3A_727, %add3A_731 : vector<256x128xf32>
    %lt3A_733 = arith.cmpf olt, %add3A_732, %select_n3A_717 : vector<256x128xf32>
    %select_n3A_734 = arith.select %lt3A_733, %add3A_732, %select_n3A_717 : vector<256x128xi1>, vector<256x128xf32>
    %jit3A_735 = arith.constant 42 : i32
    %broadcast_in_dim3A_736 = vector.broadcast %jit3A_735 : i32 to vector<256x128xi32>
    %select_n3A_737 = arith.select %lt3A_733, %broadcast_in_dim3A_736, %select_n3A_720 : vector<256x128xi1>, vector<256x128xi32>
    %get3A_738 = arith.constant 0 : index
    %get3A_739 = arith.constant 5504 : index
    %get3A_740 = vector.load %arg3[%get3A_738, %get3A_739] : memref<32x8192xf32, #tpu.memory_space<vmem>>, vector<32x128xf32>
    %dot_general3A_741 = arith.constant dense<0.000000e+00> : vector<256x128xf32>
    %dot_general3A_742 = tpu.matmul %mul3A_5, %get3A_740, %dot_general3A_741 {dimension_numbers = #tpu.dot_dimension_numbers<[1], [0], [0], [1], [0, 0, 1, 1], [], []>, transpose_lhs_hint = false} : vector<256x32xf32>, vector<32x128xf32>, vector<256x128xf32> -> vector<256x128xf32>
    %add3A_743 = vector.broadcast %broadcast_in_dim3A : vector<256x1xf32> to vector<256x128xf32>
    %add3A_744 = arith.addf %add3A_743, %dot_general3A_742 : vector<256x128xf32>
    %get3A_745 = arith.constant 0 : index
    %get3A_746 = arith.constant 5504 : index
    %get3A_747 = vector.load %arg6[%get3A_745, %get3A_746] : memref<1x8192xf32, #tpu.memory_space<vmem>>, vector<1x128xf32>
    %add3A_748 = vector.broadcast %get3A_747 : vector<1x128xf32> to vector<256x128xf32>
    %add3A_749 = arith.addf %add3A_744, %add3A_748 : vector<256x128xf32>
    %lt3A_750 = arith.cmpf olt, %add3A_749, %select_n3A_734 : vector<256x128xf32>
    %select_n3A_751 = arith.select %lt3A_750, %add3A_749, %select_n3A_734 : vector<256x128xi1>, vector<256x128xf32>
    %jit3A_752 = arith.constant 43 : i32
    %broadcast_in_dim3A_753 = vector.broadcast %jit3A_752 : i32 to vector<256x128xi32>
    %select_n3A_754 = arith.select %lt3A_750, %broadcast_in_dim3A_753, %select_n3A_737 : vector<256x128xi1>, vector<256x128xi32>
    %get3A_755 = arith.constant 0 : index
    %get3A_756 = arith.constant 5632 : index
    %get3A_757 = vector.load %arg3[%get3A_755, %get3A_756] : memref<32x8192xf32, #tpu.memory_space<vmem>>, vector<32x128xf32>
    %dot_general3A_758 = arith.constant dense<0.000000e+00> : vector<256x128xf32>
    %dot_general3A_759 = tpu.matmul %mul3A_5, %get3A_757, %dot_general3A_758 {dimension_numbers = #tpu.dot_dimension_numbers<[1], [0], [0], [1], [0, 0, 1, 1], [], []>, transpose_lhs_hint = false} : vector<256x32xf32>, vector<32x128xf32>, vector<256x128xf32> -> vector<256x128xf32>
    %add3A_760 = vector.broadcast %broadcast_in_dim3A : vector<256x1xf32> to vector<256x128xf32>
    %add3A_761 = arith.addf %add3A_760, %dot_general3A_759 : vector<256x128xf32>
    %get3A_762 = arith.constant 0 : index
    %get3A_763 = arith.constant 5632 : index
    %get3A_764 = vector.load %arg6[%get3A_762, %get3A_763] : memref<1x8192xf32, #tpu.memory_space<vmem>>, vector<1x128xf32>
    %add3A_765 = vector.broadcast %get3A_764 : vector<1x128xf32> to vector<256x128xf32>
    %add3A_766 = arith.addf %add3A_761, %add3A_765 : vector<256x128xf32>
    %lt3A_767 = arith.cmpf olt, %add3A_766, %select_n3A_751 : vector<256x128xf32>
    %select_n3A_768 = arith.select %lt3A_767, %add3A_766, %select_n3A_751 : vector<256x128xi1>, vector<256x128xf32>
    %jit3A_769 = arith.constant 44 : i32
    %broadcast_in_dim3A_770 = vector.broadcast %jit3A_769 : i32 to vector<256x128xi32>
    %select_n3A_771 = arith.select %lt3A_767, %broadcast_in_dim3A_770, %select_n3A_754 : vector<256x128xi1>, vector<256x128xi32>
    %get3A_772 = arith.constant 0 : index
    %get3A_773 = arith.constant 5760 : index
    %get3A_774 = vector.load %arg3[%get3A_772, %get3A_773] : memref<32x8192xf32, #tpu.memory_space<vmem>>, vector<32x128xf32>
    %dot_general3A_775 = arith.constant dense<0.000000e+00> : vector<256x128xf32>
    %dot_general3A_776 = tpu.matmul %mul3A_5, %get3A_774, %dot_general3A_775 {dimension_numbers = #tpu.dot_dimension_numbers<[1], [0], [0], [1], [0, 0, 1, 1], [], []>, transpose_lhs_hint = false} : vector<256x32xf32>, vector<32x128xf32>, vector<256x128xf32> -> vector<256x128xf32>
    %add3A_777 = vector.broadcast %broadcast_in_dim3A : vector<256x1xf32> to vector<256x128xf32>
    %add3A_778 = arith.addf %add3A_777, %dot_general3A_776 : vector<256x128xf32>
    %get3A_779 = arith.constant 0 : index
    %get3A_780 = arith.constant 5760 : index
    %get3A_781 = vector.load %arg6[%get3A_779, %get3A_780] : memref<1x8192xf32, #tpu.memory_space<vmem>>, vector<1x128xf32>
    %add3A_782 = vector.broadcast %get3A_781 : vector<1x128xf32> to vector<256x128xf32>
    %add3A_783 = arith.addf %add3A_778, %add3A_782 : vector<256x128xf32>
    %lt3A_784 = arith.cmpf olt, %add3A_783, %select_n3A_768 : vector<256x128xf32>
    %select_n3A_785 = arith.select %lt3A_784, %add3A_783, %select_n3A_768 : vector<256x128xi1>, vector<256x128xf32>
    %jit3A_786 = arith.constant 45 : i32
    %broadcast_in_dim3A_787 = vector.broadcast %jit3A_786 : i32 to vector<256x128xi32>
    %select_n3A_788 = arith.select %lt3A_784, %broadcast_in_dim3A_787, %select_n3A_771 : vector<256x128xi1>, vector<256x128xi32>
    %get3A_789 = arith.constant 0 : index
    %get3A_790 = arith.constant 5888 : index
    %get3A_791 = vector.load %arg3[%get3A_789, %get3A_790] : memref<32x8192xf32, #tpu.memory_space<vmem>>, vector<32x128xf32>
    %dot_general3A_792 = arith.constant dense<0.000000e+00> : vector<256x128xf32>
    %dot_general3A_793 = tpu.matmul %mul3A_5, %get3A_791, %dot_general3A_792 {dimension_numbers = #tpu.dot_dimension_numbers<[1], [0], [0], [1], [0, 0, 1, 1], [], []>, transpose_lhs_hint = false} : vector<256x32xf32>, vector<32x128xf32>, vector<256x128xf32> -> vector<256x128xf32>
    %add3A_794 = vector.broadcast %broadcast_in_dim3A : vector<256x1xf32> to vector<256x128xf32>
    %add3A_795 = arith.addf %add3A_794, %dot_general3A_793 : vector<256x128xf32>
    %get3A_796 = arith.constant 0 : index
    %get3A_797 = arith.constant 5888 : index
    %get3A_798 = vector.load %arg6[%get3A_796, %get3A_797] : memref<1x8192xf32, #tpu.memory_space<vmem>>, vector<1x128xf32>
    %add3A_799 = vector.broadcast %get3A_798 : vector<1x128xf32> to vector<256x128xf32>
    %add3A_800 = arith.addf %add3A_795, %add3A_799 : vector<256x128xf32>
    %lt3A_801 = arith.cmpf olt, %add3A_800, %select_n3A_785 : vector<256x128xf32>
    %select_n3A_802 = arith.select %lt3A_801, %add3A_800, %select_n3A_785 : vector<256x128xi1>, vector<256x128xf32>
    %jit3A_803 = arith.constant 46 : i32
    %broadcast_in_dim3A_804 = vector.broadcast %jit3A_803 : i32 to vector<256x128xi32>
    %select_n3A_805 = arith.select %lt3A_801, %broadcast_in_dim3A_804, %select_n3A_788 : vector<256x128xi1>, vector<256x128xi32>
    %get3A_806 = arith.constant 0 : index
    %get3A_807 = arith.constant 6016 : index
    %get3A_808 = vector.load %arg3[%get3A_806, %get3A_807] : memref<32x8192xf32, #tpu.memory_space<vmem>>, vector<32x128xf32>
    %dot_general3A_809 = arith.constant dense<0.000000e+00> : vector<256x128xf32>
    %dot_general3A_810 = tpu.matmul %mul3A_5, %get3A_808, %dot_general3A_809 {dimension_numbers = #tpu.dot_dimension_numbers<[1], [0], [0], [1], [0, 0, 1, 1], [], []>, transpose_lhs_hint = false} : vector<256x32xf32>, vector<32x128xf32>, vector<256x128xf32> -> vector<256x128xf32>
    %add3A_811 = vector.broadcast %broadcast_in_dim3A : vector<256x1xf32> to vector<256x128xf32>
    %add3A_812 = arith.addf %add3A_811, %dot_general3A_810 : vector<256x128xf32>
    %get3A_813 = arith.constant 0 : index
    %get3A_814 = arith.constant 6016 : index
    %get3A_815 = vector.load %arg6[%get3A_813, %get3A_814] : memref<1x8192xf32, #tpu.memory_space<vmem>>, vector<1x128xf32>
    %add3A_816 = vector.broadcast %get3A_815 : vector<1x128xf32> to vector<256x128xf32>
    %add3A_817 = arith.addf %add3A_812, %add3A_816 : vector<256x128xf32>
    %lt3A_818 = arith.cmpf olt, %add3A_817, %select_n3A_802 : vector<256x128xf32>
    %select_n3A_819 = arith.select %lt3A_818, %add3A_817, %select_n3A_802 : vector<256x128xi1>, vector<256x128xf32>
    %jit3A_820 = arith.constant 47 : i32
    %broadcast_in_dim3A_821 = vector.broadcast %jit3A_820 : i32 to vector<256x128xi32>
    %select_n3A_822 = arith.select %lt3A_818, %broadcast_in_dim3A_821, %select_n3A_805 : vector<256x128xi1>, vector<256x128xi32>
    %get3A_823 = arith.constant 0 : index
    %get3A_824 = arith.constant 6144 : index
    %get3A_825 = vector.load %arg3[%get3A_823, %get3A_824] : memref<32x8192xf32, #tpu.memory_space<vmem>>, vector<32x128xf32>
    %dot_general3A_826 = arith.constant dense<0.000000e+00> : vector<256x128xf32>
    %dot_general3A_827 = tpu.matmul %mul3A_5, %get3A_825, %dot_general3A_826 {dimension_numbers = #tpu.dot_dimension_numbers<[1], [0], [0], [1], [0, 0, 1, 1], [], []>, transpose_lhs_hint = false} : vector<256x32xf32>, vector<32x128xf32>, vector<256x128xf32> -> vector<256x128xf32>
    %add3A_828 = vector.broadcast %broadcast_in_dim3A : vector<256x1xf32> to vector<256x128xf32>
    %add3A_829 = arith.addf %add3A_828, %dot_general3A_827 : vector<256x128xf32>
    %get3A_830 = arith.constant 0 : index
    %get3A_831 = arith.constant 6144 : index
    %get3A_832 = vector.load %arg6[%get3A_830, %get3A_831] : memref<1x8192xf32, #tpu.memory_space<vmem>>, vector<1x128xf32>
    %add3A_833 = vector.broadcast %get3A_832 : vector<1x128xf32> to vector<256x128xf32>
    %add3A_834 = arith.addf %add3A_829, %add3A_833 : vector<256x128xf32>
    %lt3A_835 = arith.cmpf olt, %add3A_834, %select_n3A_819 : vector<256x128xf32>
    %select_n3A_836 = arith.select %lt3A_835, %add3A_834, %select_n3A_819 : vector<256x128xi1>, vector<256x128xf32>
    %jit3A_837 = arith.constant 48 : i32
    %broadcast_in_dim3A_838 = vector.broadcast %jit3A_837 : i32 to vector<256x128xi32>
    %select_n3A_839 = arith.select %lt3A_835, %broadcast_in_dim3A_838, %select_n3A_822 : vector<256x128xi1>, vector<256x128xi32>
    %get3A_840 = arith.constant 0 : index
    %get3A_841 = arith.constant 6272 : index
    %get3A_842 = vector.load %arg3[%get3A_840, %get3A_841] : memref<32x8192xf32, #tpu.memory_space<vmem>>, vector<32x128xf32>
    %dot_general3A_843 = arith.constant dense<0.000000e+00> : vector<256x128xf32>
    %dot_general3A_844 = tpu.matmul %mul3A_5, %get3A_842, %dot_general3A_843 {dimension_numbers = #tpu.dot_dimension_numbers<[1], [0], [0], [1], [0, 0, 1, 1], [], []>, transpose_lhs_hint = false} : vector<256x32xf32>, vector<32x128xf32>, vector<256x128xf32> -> vector<256x128xf32>
    %add3A_845 = vector.broadcast %broadcast_in_dim3A : vector<256x1xf32> to vector<256x128xf32>
    %add3A_846 = arith.addf %add3A_845, %dot_general3A_844 : vector<256x128xf32>
    %get3A_847 = arith.constant 0 : index
    %get3A_848 = arith.constant 6272 : index
    %get3A_849 = vector.load %arg6[%get3A_847, %get3A_848] : memref<1x8192xf32, #tpu.memory_space<vmem>>, vector<1x128xf32>
    %add3A_850 = vector.broadcast %get3A_849 : vector<1x128xf32> to vector<256x128xf32>
    %add3A_851 = arith.addf %add3A_846, %add3A_850 : vector<256x128xf32>
    %lt3A_852 = arith.cmpf olt, %add3A_851, %select_n3A_836 : vector<256x128xf32>
    %select_n3A_853 = arith.select %lt3A_852, %add3A_851, %select_n3A_836 : vector<256x128xi1>, vector<256x128xf32>
    %jit3A_854 = arith.constant 49 : i32
    %broadcast_in_dim3A_855 = vector.broadcast %jit3A_854 : i32 to vector<256x128xi32>
    %select_n3A_856 = arith.select %lt3A_852, %broadcast_in_dim3A_855, %select_n3A_839 : vector<256x128xi1>, vector<256x128xi32>
    %get3A_857 = arith.constant 0 : index
    %get3A_858 = arith.constant 6400 : index
    %get3A_859 = vector.load %arg3[%get3A_857, %get3A_858] : memref<32x8192xf32, #tpu.memory_space<vmem>>, vector<32x128xf32>
    %dot_general3A_860 = arith.constant dense<0.000000e+00> : vector<256x128xf32>
    %dot_general3A_861 = tpu.matmul %mul3A_5, %get3A_859, %dot_general3A_860 {dimension_numbers = #tpu.dot_dimension_numbers<[1], [0], [0], [1], [0, 0, 1, 1], [], []>, transpose_lhs_hint = false} : vector<256x32xf32>, vector<32x128xf32>, vector<256x128xf32> -> vector<256x128xf32>
    %add3A_862 = vector.broadcast %broadcast_in_dim3A : vector<256x1xf32> to vector<256x128xf32>
    %add3A_863 = arith.addf %add3A_862, %dot_general3A_861 : vector<256x128xf32>
    %get3A_864 = arith.constant 0 : index
    %get3A_865 = arith.constant 6400 : index
    %get3A_866 = vector.load %arg6[%get3A_864, %get3A_865] : memref<1x8192xf32, #tpu.memory_space<vmem>>, vector<1x128xf32>
    %add3A_867 = vector.broadcast %get3A_866 : vector<1x128xf32> to vector<256x128xf32>
    %add3A_868 = arith.addf %add3A_863, %add3A_867 : vector<256x128xf32>
    %lt3A_869 = arith.cmpf olt, %add3A_868, %select_n3A_853 : vector<256x128xf32>
    %select_n3A_870 = arith.select %lt3A_869, %add3A_868, %select_n3A_853 : vector<256x128xi1>, vector<256x128xf32>
    %jit3A_871 = arith.constant 50 : i32
    %broadcast_in_dim3A_872 = vector.broadcast %jit3A_871 : i32 to vector<256x128xi32>
    %select_n3A_873 = arith.select %lt3A_869, %broadcast_in_dim3A_872, %select_n3A_856 : vector<256x128xi1>, vector<256x128xi32>
    %get3A_874 = arith.constant 0 : index
    %get3A_875 = arith.constant 6528 : index
    %get3A_876 = vector.load %arg3[%get3A_874, %get3A_875] : memref<32x8192xf32, #tpu.memory_space<vmem>>, vector<32x128xf32>
    %dot_general3A_877 = arith.constant dense<0.000000e+00> : vector<256x128xf32>
    %dot_general3A_878 = tpu.matmul %mul3A_5, %get3A_876, %dot_general3A_877 {dimension_numbers = #tpu.dot_dimension_numbers<[1], [0], [0], [1], [0, 0, 1, 1], [], []>, transpose_lhs_hint = false} : vector<256x32xf32>, vector<32x128xf32>, vector<256x128xf32> -> vector<256x128xf32>
    %add3A_879 = vector.broadcast %broadcast_in_dim3A : vector<256x1xf32> to vector<256x128xf32>
    %add3A_880 = arith.addf %add3A_879, %dot_general3A_878 : vector<256x128xf32>
    %get3A_881 = arith.constant 0 : index
    %get3A_882 = arith.constant 6528 : index
    %get3A_883 = vector.load %arg6[%get3A_881, %get3A_882] : memref<1x8192xf32, #tpu.memory_space<vmem>>, vector<1x128xf32>
    %add3A_884 = vector.broadcast %get3A_883 : vector<1x128xf32> to vector<256x128xf32>
    %add3A_885 = arith.addf %add3A_880, %add3A_884 : vector<256x128xf32>
    %lt3A_886 = arith.cmpf olt, %add3A_885, %select_n3A_870 : vector<256x128xf32>
    %select_n3A_887 = arith.select %lt3A_886, %add3A_885, %select_n3A_870 : vector<256x128xi1>, vector<256x128xf32>
    %jit3A_888 = arith.constant 51 : i32
    %broadcast_in_dim3A_889 = vector.broadcast %jit3A_888 : i32 to vector<256x128xi32>
    %select_n3A_890 = arith.select %lt3A_886, %broadcast_in_dim3A_889, %select_n3A_873 : vector<256x128xi1>, vector<256x128xi32>
    %get3A_891 = arith.constant 0 : index
    %get3A_892 = arith.constant 6656 : index
    %get3A_893 = vector.load %arg3[%get3A_891, %get3A_892] : memref<32x8192xf32, #tpu.memory_space<vmem>>, vector<32x128xf32>
    %dot_general3A_894 = arith.constant dense<0.000000e+00> : vector<256x128xf32>
    %dot_general3A_895 = tpu.matmul %mul3A_5, %get3A_893, %dot_general3A_894 {dimension_numbers = #tpu.dot_dimension_numbers<[1], [0], [0], [1], [0, 0, 1, 1], [], []>, transpose_lhs_hint = false} : vector<256x32xf32>, vector<32x128xf32>, vector<256x128xf32> -> vector<256x128xf32>
    %add3A_896 = vector.broadcast %broadcast_in_dim3A : vector<256x1xf32> to vector<256x128xf32>
    %add3A_897 = arith.addf %add3A_896, %dot_general3A_895 : vector<256x128xf32>
    %get3A_898 = arith.constant 0 : index
    %get3A_899 = arith.constant 6656 : index
    %get3A_900 = vector.load %arg6[%get3A_898, %get3A_899] : memref<1x8192xf32, #tpu.memory_space<vmem>>, vector<1x128xf32>
    %add3A_901 = vector.broadcast %get3A_900 : vector<1x128xf32> to vector<256x128xf32>
    %add3A_902 = arith.addf %add3A_897, %add3A_901 : vector<256x128xf32>
    %lt3A_903 = arith.cmpf olt, %add3A_902, %select_n3A_887 : vector<256x128xf32>
    %select_n3A_904 = arith.select %lt3A_903, %add3A_902, %select_n3A_887 : vector<256x128xi1>, vector<256x128xf32>
    %jit3A_905 = arith.constant 52 : i32
    %broadcast_in_dim3A_906 = vector.broadcast %jit3A_905 : i32 to vector<256x128xi32>
    %select_n3A_907 = arith.select %lt3A_903, %broadcast_in_dim3A_906, %select_n3A_890 : vector<256x128xi1>, vector<256x128xi32>
    %get3A_908 = arith.constant 0 : index
    %get3A_909 = arith.constant 6784 : index
    %get3A_910 = vector.load %arg3[%get3A_908, %get3A_909] : memref<32x8192xf32, #tpu.memory_space<vmem>>, vector<32x128xf32>
    %dot_general3A_911 = arith.constant dense<0.000000e+00> : vector<256x128xf32>
    %dot_general3A_912 = tpu.matmul %mul3A_5, %get3A_910, %dot_general3A_911 {dimension_numbers = #tpu.dot_dimension_numbers<[1], [0], [0], [1], [0, 0, 1, 1], [], []>, transpose_lhs_hint = false} : vector<256x32xf32>, vector<32x128xf32>, vector<256x128xf32> -> vector<256x128xf32>
    %add3A_913 = vector.broadcast %broadcast_in_dim3A : vector<256x1xf32> to vector<256x128xf32>
    %add3A_914 = arith.addf %add3A_913, %dot_general3A_912 : vector<256x128xf32>
    %get3A_915 = arith.constant 0 : index
    %get3A_916 = arith.constant 6784 : index
    %get3A_917 = vector.load %arg6[%get3A_915, %get3A_916] : memref<1x8192xf32, #tpu.memory_space<vmem>>, vector<1x128xf32>
    %add3A_918 = vector.broadcast %get3A_917 : vector<1x128xf32> to vector<256x128xf32>
    %add3A_919 = arith.addf %add3A_914, %add3A_918 : vector<256x128xf32>
    %lt3A_920 = arith.cmpf olt, %add3A_919, %select_n3A_904 : vector<256x128xf32>
    %select_n3A_921 = arith.select %lt3A_920, %add3A_919, %select_n3A_904 : vector<256x128xi1>, vector<256x128xf32>
    %jit3A_922 = arith.constant 53 : i32
    %broadcast_in_dim3A_923 = vector.broadcast %jit3A_922 : i32 to vector<256x128xi32>
    %select_n3A_924 = arith.select %lt3A_920, %broadcast_in_dim3A_923, %select_n3A_907 : vector<256x128xi1>, vector<256x128xi32>
    %get3A_925 = arith.constant 0 : index
    %get3A_926 = arith.constant 6912 : index
    %get3A_927 = vector.load %arg3[%get3A_925, %get3A_926] : memref<32x8192xf32, #tpu.memory_space<vmem>>, vector<32x128xf32>
    %dot_general3A_928 = arith.constant dense<0.000000e+00> : vector<256x128xf32>
    %dot_general3A_929 = tpu.matmul %mul3A_5, %get3A_927, %dot_general3A_928 {dimension_numbers = #tpu.dot_dimension_numbers<[1], [0], [0], [1], [0, 0, 1, 1], [], []>, transpose_lhs_hint = false} : vector<256x32xf32>, vector<32x128xf32>, vector<256x128xf32> -> vector<256x128xf32>
    %add3A_930 = vector.broadcast %broadcast_in_dim3A : vector<256x1xf32> to vector<256x128xf32>
    %add3A_931 = arith.addf %add3A_930, %dot_general3A_929 : vector<256x128xf32>
    %get3A_932 = arith.constant 0 : index
    %get3A_933 = arith.constant 6912 : index
    %get3A_934 = vector.load %arg6[%get3A_932, %get3A_933] : memref<1x8192xf32, #tpu.memory_space<vmem>>, vector<1x128xf32>
    %add3A_935 = vector.broadcast %get3A_934 : vector<1x128xf32> to vector<256x128xf32>
    %add3A_936 = arith.addf %add3A_931, %add3A_935 : vector<256x128xf32>
    %lt3A_937 = arith.cmpf olt, %add3A_936, %select_n3A_921 : vector<256x128xf32>
    %select_n3A_938 = arith.select %lt3A_937, %add3A_936, %select_n3A_921 : vector<256x128xi1>, vector<256x128xf32>
    %jit3A_939 = arith.constant 54 : i32
    %broadcast_in_dim3A_940 = vector.broadcast %jit3A_939 : i32 to vector<256x128xi32>
    %select_n3A_941 = arith.select %lt3A_937, %broadcast_in_dim3A_940, %select_n3A_924 : vector<256x128xi1>, vector<256x128xi32>
    %get3A_942 = arith.constant 0 : index
    %get3A_943 = arith.constant 7040 : index
    %get3A_944 = vector.load %arg3[%get3A_942, %get3A_943] : memref<32x8192xf32, #tpu.memory_space<vmem>>, vector<32x128xf32>
    %dot_general3A_945 = arith.constant dense<0.000000e+00> : vector<256x128xf32>
    %dot_general3A_946 = tpu.matmul %mul3A_5, %get3A_944, %dot_general3A_945 {dimension_numbers = #tpu.dot_dimension_numbers<[1], [0], [0], [1], [0, 0, 1, 1], [], []>, transpose_lhs_hint = false} : vector<256x32xf32>, vector<32x128xf32>, vector<256x128xf32> -> vector<256x128xf32>
    %add3A_947 = vector.broadcast %broadcast_in_dim3A : vector<256x1xf32> to vector<256x128xf32>
    %add3A_948 = arith.addf %add3A_947, %dot_general3A_946 : vector<256x128xf32>
    %get3A_949 = arith.constant 0 : index
    %get3A_950 = arith.constant 7040 : index
    %get3A_951 = vector.load %arg6[%get3A_949, %get3A_950] : memref<1x8192xf32, #tpu.memory_space<vmem>>, vector<1x128xf32>
    %add3A_952 = vector.broadcast %get3A_951 : vector<1x128xf32> to vector<256x128xf32>
    %add3A_953 = arith.addf %add3A_948, %add3A_952 : vector<256x128xf32>
    %lt3A_954 = arith.cmpf olt, %add3A_953, %select_n3A_938 : vector<256x128xf32>
    %select_n3A_955 = arith.select %lt3A_954, %add3A_953, %select_n3A_938 : vector<256x128xi1>, vector<256x128xf32>
    %jit3A_956 = arith.constant 55 : i32
    %broadcast_in_dim3A_957 = vector.broadcast %jit3A_956 : i32 to vector<256x128xi32>
    %select_n3A_958 = arith.select %lt3A_954, %broadcast_in_dim3A_957, %select_n3A_941 : vector<256x128xi1>, vector<256x128xi32>
    %get3A_959 = arith.constant 0 : index
    %get3A_960 = arith.constant 7168 : index
    %get3A_961 = vector.load %arg3[%get3A_959, %get3A_960] : memref<32x8192xf32, #tpu.memory_space<vmem>>, vector<32x128xf32>
    %dot_general3A_962 = arith.constant dense<0.000000e+00> : vector<256x128xf32>
    %dot_general3A_963 = tpu.matmul %mul3A_5, %get3A_961, %dot_general3A_962 {dimension_numbers = #tpu.dot_dimension_numbers<[1], [0], [0], [1], [0, 0, 1, 1], [], []>, transpose_lhs_hint = false} : vector<256x32xf32>, vector<32x128xf32>, vector<256x128xf32> -> vector<256x128xf32>
    %add3A_964 = vector.broadcast %broadcast_in_dim3A : vector<256x1xf32> to vector<256x128xf32>
    %add3A_965 = arith.addf %add3A_964, %dot_general3A_963 : vector<256x128xf32>
    %get3A_966 = arith.constant 0 : index
    %get3A_967 = arith.constant 7168 : index
    %get3A_968 = vector.load %arg6[%get3A_966, %get3A_967] : memref<1x8192xf32, #tpu.memory_space<vmem>>, vector<1x128xf32>
    %add3A_969 = vector.broadcast %get3A_968 : vector<1x128xf32> to vector<256x128xf32>
    %add3A_970 = arith.addf %add3A_965, %add3A_969 : vector<256x128xf32>
    %lt3A_971 = arith.cmpf olt, %add3A_970, %select_n3A_955 : vector<256x128xf32>
    %select_n3A_972 = arith.select %lt3A_971, %add3A_970, %select_n3A_955 : vector<256x128xi1>, vector<256x128xf32>
    %jit3A_973 = arith.constant 56 : i32
    %broadcast_in_dim3A_974 = vector.broadcast %jit3A_973 : i32 to vector<256x128xi32>
    %select_n3A_975 = arith.select %lt3A_971, %broadcast_in_dim3A_974, %select_n3A_958 : vector<256x128xi1>, vector<256x128xi32>
    %get3A_976 = arith.constant 0 : index
    %get3A_977 = arith.constant 7296 : index
    %get3A_978 = vector.load %arg3[%get3A_976, %get3A_977] : memref<32x8192xf32, #tpu.memory_space<vmem>>, vector<32x128xf32>
    %dot_general3A_979 = arith.constant dense<0.000000e+00> : vector<256x128xf32>
    %dot_general3A_980 = tpu.matmul %mul3A_5, %get3A_978, %dot_general3A_979 {dimension_numbers = #tpu.dot_dimension_numbers<[1], [0], [0], [1], [0, 0, 1, 1], [], []>, transpose_lhs_hint = false} : vector<256x32xf32>, vector<32x128xf32>, vector<256x128xf32> -> vector<256x128xf32>
    %add3A_981 = vector.broadcast %broadcast_in_dim3A : vector<256x1xf32> to vector<256x128xf32>
    %add3A_982 = arith.addf %add3A_981, %dot_general3A_980 : vector<256x128xf32>
    %get3A_983 = arith.constant 0 : index
    %get3A_984 = arith.constant 7296 : index
    %get3A_985 = vector.load %arg6[%get3A_983, %get3A_984] : memref<1x8192xf32, #tpu.memory_space<vmem>>, vector<1x128xf32>
    %add3A_986 = vector.broadcast %get3A_985 : vector<1x128xf32> to vector<256x128xf32>
    %add3A_987 = arith.addf %add3A_982, %add3A_986 : vector<256x128xf32>
    %lt3A_988 = arith.cmpf olt, %add3A_987, %select_n3A_972 : vector<256x128xf32>
    %select_n3A_989 = arith.select %lt3A_988, %add3A_987, %select_n3A_972 : vector<256x128xi1>, vector<256x128xf32>
    %jit3A_990 = arith.constant 57 : i32
    %broadcast_in_dim3A_991 = vector.broadcast %jit3A_990 : i32 to vector<256x128xi32>
    %select_n3A_992 = arith.select %lt3A_988, %broadcast_in_dim3A_991, %select_n3A_975 : vector<256x128xi1>, vector<256x128xi32>
    %get3A_993 = arith.constant 0 : index
    %get3A_994 = arith.constant 7424 : index
    %get3A_995 = vector.load %arg3[%get3A_993, %get3A_994] : memref<32x8192xf32, #tpu.memory_space<vmem>>, vector<32x128xf32>
    %dot_general3A_996 = arith.constant dense<0.000000e+00> : vector<256x128xf32>
    %dot_general3A_997 = tpu.matmul %mul3A_5, %get3A_995, %dot_general3A_996 {dimension_numbers = #tpu.dot_dimension_numbers<[1], [0], [0], [1], [0, 0, 1, 1], [], []>, transpose_lhs_hint = false} : vector<256x32xf32>, vector<32x128xf32>, vector<256x128xf32> -> vector<256x128xf32>
    %add3A_998 = vector.broadcast %broadcast_in_dim3A : vector<256x1xf32> to vector<256x128xf32>
    %add3A_999 = arith.addf %add3A_998, %dot_general3A_997 : vector<256x128xf32>
    %get3A_1000 = arith.constant 0 : index
    %get3A_1001 = arith.constant 7424 : index
    %get3A_1002 = vector.load %arg6[%get3A_1000, %get3A_1001] : memref<1x8192xf32, #tpu.memory_space<vmem>>, vector<1x128xf32>
    %add3A_1003 = vector.broadcast %get3A_1002 : vector<1x128xf32> to vector<256x128xf32>
    %add3A_1004 = arith.addf %add3A_999, %add3A_1003 : vector<256x128xf32>
    %lt3A_1005 = arith.cmpf olt, %add3A_1004, %select_n3A_989 : vector<256x128xf32>
    %select_n3A_1006 = arith.select %lt3A_1005, %add3A_1004, %select_n3A_989 : vector<256x128xi1>, vector<256x128xf32>
    %jit3A_1007 = arith.constant 58 : i32
    %broadcast_in_dim3A_1008 = vector.broadcast %jit3A_1007 : i32 to vector<256x128xi32>
    %select_n3A_1009 = arith.select %lt3A_1005, %broadcast_in_dim3A_1008, %select_n3A_992 : vector<256x128xi1>, vector<256x128xi32>
    %get3A_1010 = arith.constant 0 : index
    %get3A_1011 = arith.constant 7552 : index
    %get3A_1012 = vector.load %arg3[%get3A_1010, %get3A_1011] : memref<32x8192xf32, #tpu.memory_space<vmem>>, vector<32x128xf32>
    %dot_general3A_1013 = arith.constant dense<0.000000e+00> : vector<256x128xf32>
    %dot_general3A_1014 = tpu.matmul %mul3A_5, %get3A_1012, %dot_general3A_1013 {dimension_numbers = #tpu.dot_dimension_numbers<[1], [0], [0], [1], [0, 0, 1, 1], [], []>, transpose_lhs_hint = false} : vector<256x32xf32>, vector<32x128xf32>, vector<256x128xf32> -> vector<256x128xf32>
    %add3A_1015 = vector.broadcast %broadcast_in_dim3A : vector<256x1xf32> to vector<256x128xf32>
    %add3A_1016 = arith.addf %add3A_1015, %dot_general3A_1014 : vector<256x128xf32>
    %get3A_1017 = arith.constant 0 : index
    %get3A_1018 = arith.constant 7552 : index
    %get3A_1019 = vector.load %arg6[%get3A_1017, %get3A_1018] : memref<1x8192xf32, #tpu.memory_space<vmem>>, vector<1x128xf32>
    %add3A_1020 = vector.broadcast %get3A_1019 : vector<1x128xf32> to vector<256x128xf32>
    %add3A_1021 = arith.addf %add3A_1016, %add3A_1020 : vector<256x128xf32>
    %lt3A_1022 = arith.cmpf olt, %add3A_1021, %select_n3A_1006 : vector<256x128xf32>
    %select_n3A_1023 = arith.select %lt3A_1022, %add3A_1021, %select_n3A_1006 : vector<256x128xi1>, vector<256x128xf32>
    %jit3A_1024 = arith.constant 59 : i32
    %broadcast_in_dim3A_1025 = vector.broadcast %jit3A_1024 : i32 to vector<256x128xi32>
    %select_n3A_1026 = arith.select %lt3A_1022, %broadcast_in_dim3A_1025, %select_n3A_1009 : vector<256x128xi1>, vector<256x128xi32>
    %get3A_1027 = arith.constant 0 : index
    %get3A_1028 = arith.constant 7680 : index
    %get3A_1029 = vector.load %arg3[%get3A_1027, %get3A_1028] : memref<32x8192xf32, #tpu.memory_space<vmem>>, vector<32x128xf32>
    %dot_general3A_1030 = arith.constant dense<0.000000e+00> : vector<256x128xf32>
    %dot_general3A_1031 = tpu.matmul %mul3A_5, %get3A_1029, %dot_general3A_1030 {dimension_numbers = #tpu.dot_dimension_numbers<[1], [0], [0], [1], [0, 0, 1, 1], [], []>, transpose_lhs_hint = false} : vector<256x32xf32>, vector<32x128xf32>, vector<256x128xf32> -> vector<256x128xf32>
    %add3A_1032 = vector.broadcast %broadcast_in_dim3A : vector<256x1xf32> to vector<256x128xf32>
    %add3A_1033 = arith.addf %add3A_1032, %dot_general3A_1031 : vector<256x128xf32>
    %get3A_1034 = arith.constant 0 : index
    %get3A_1035 = arith.constant 7680 : index
    %get3A_1036 = vector.load %arg6[%get3A_1034, %get3A_1035] : memref<1x8192xf32, #tpu.memory_space<vmem>>, vector<1x128xf32>
    %add3A_1037 = vector.broadcast %get3A_1036 : vector<1x128xf32> to vector<256x128xf32>
    %add3A_1038 = arith.addf %add3A_1033, %add3A_1037 : vector<256x128xf32>
    %lt3A_1039 = arith.cmpf olt, %add3A_1038, %select_n3A_1023 : vector<256x128xf32>
    %select_n3A_1040 = arith.select %lt3A_1039, %add3A_1038, %select_n3A_1023 : vector<256x128xi1>, vector<256x128xf32>
    %jit3A_1041 = arith.constant 60 : i32
    %broadcast_in_dim3A_1042 = vector.broadcast %jit3A_1041 : i32 to vector<256x128xi32>
    %select_n3A_1043 = arith.select %lt3A_1039, %broadcast_in_dim3A_1042, %select_n3A_1026 : vector<256x128xi1>, vector<256x128xi32>
    %get3A_1044 = arith.constant 0 : index
    %get3A_1045 = arith.constant 7808 : index
    %get3A_1046 = vector.load %arg3[%get3A_1044, %get3A_1045] : memref<32x8192xf32, #tpu.memory_space<vmem>>, vector<32x128xf32>
    %dot_general3A_1047 = arith.constant dense<0.000000e+00> : vector<256x128xf32>
    %dot_general3A_1048 = tpu.matmul %mul3A_5, %get3A_1046, %dot_general3A_1047 {dimension_numbers = #tpu.dot_dimension_numbers<[1], [0], [0], [1], [0, 0, 1, 1], [], []>, transpose_lhs_hint = false} : vector<256x32xf32>, vector<32x128xf32>, vector<256x128xf32> -> vector<256x128xf32>
    %add3A_1049 = vector.broadcast %broadcast_in_dim3A : vector<256x1xf32> to vector<256x128xf32>
    %add3A_1050 = arith.addf %add3A_1049, %dot_general3A_1048 : vector<256x128xf32>
    %get3A_1051 = arith.constant 0 : index
    %get3A_1052 = arith.constant 7808 : index
    %get3A_1053 = vector.load %arg6[%get3A_1051, %get3A_1052] : memref<1x8192xf32, #tpu.memory_space<vmem>>, vector<1x128xf32>
    %add3A_1054 = vector.broadcast %get3A_1053 : vector<1x128xf32> to vector<256x128xf32>
    %add3A_1055 = arith.addf %add3A_1050, %add3A_1054 : vector<256x128xf32>
    %lt3A_1056 = arith.cmpf olt, %add3A_1055, %select_n3A_1040 : vector<256x128xf32>
    %select_n3A_1057 = arith.select %lt3A_1056, %add3A_1055, %select_n3A_1040 : vector<256x128xi1>, vector<256x128xf32>
    %jit3A_1058 = arith.constant 61 : i32
    %broadcast_in_dim3A_1059 = vector.broadcast %jit3A_1058 : i32 to vector<256x128xi32>
    %select_n3A_1060 = arith.select %lt3A_1056, %broadcast_in_dim3A_1059, %select_n3A_1043 : vector<256x128xi1>, vector<256x128xi32>
    %get3A_1061 = arith.constant 0 : index
    %get3A_1062 = arith.constant 7936 : index
    %get3A_1063 = vector.load %arg3[%get3A_1061, %get3A_1062] : memref<32x8192xf32, #tpu.memory_space<vmem>>, vector<32x128xf32>
    %dot_general3A_1064 = arith.constant dense<0.000000e+00> : vector<256x128xf32>
    %dot_general3A_1065 = tpu.matmul %mul3A_5, %get3A_1063, %dot_general3A_1064 {dimension_numbers = #tpu.dot_dimension_numbers<[1], [0], [0], [1], [0, 0, 1, 1], [], []>, transpose_lhs_hint = false} : vector<256x32xf32>, vector<32x128xf32>, vector<256x128xf32> -> vector<256x128xf32>
    %add3A_1066 = vector.broadcast %broadcast_in_dim3A : vector<256x1xf32> to vector<256x128xf32>
    %add3A_1067 = arith.addf %add3A_1066, %dot_general3A_1065 : vector<256x128xf32>
    %get3A_1068 = arith.constant 0 : index
    %get3A_1069 = arith.constant 7936 : index
    %get3A_1070 = vector.load %arg6[%get3A_1068, %get3A_1069] : memref<1x8192xf32, #tpu.memory_space<vmem>>, vector<1x128xf32>
    %add3A_1071 = vector.broadcast %get3A_1070 : vector<1x128xf32> to vector<256x128xf32>
    %add3A_1072 = arith.addf %add3A_1067, %add3A_1071 : vector<256x128xf32>
    %lt3A_1073 = arith.cmpf olt, %add3A_1072, %select_n3A_1057 : vector<256x128xf32>
    %select_n3A_1074 = arith.select %lt3A_1073, %add3A_1072, %select_n3A_1057 : vector<256x128xi1>, vector<256x128xf32>
    %jit3A_1075 = arith.constant 62 : i32
    %broadcast_in_dim3A_1076 = vector.broadcast %jit3A_1075 : i32 to vector<256x128xi32>
    %select_n3A_1077 = arith.select %lt3A_1073, %broadcast_in_dim3A_1076, %select_n3A_1060 : vector<256x128xi1>, vector<256x128xi32>
    %get3A_1078 = arith.constant 0 : index
    %get3A_1079 = arith.constant 8064 : index
    %get3A_1080 = vector.load %arg3[%get3A_1078, %get3A_1079] : memref<32x8192xf32, #tpu.memory_space<vmem>>, vector<32x128xf32>
    %dot_general3A_1081 = arith.constant dense<0.000000e+00> : vector<256x128xf32>
    %dot_general3A_1082 = tpu.matmul %mul3A_5, %get3A_1080, %dot_general3A_1081 {dimension_numbers = #tpu.dot_dimension_numbers<[1], [0], [0], [1], [0, 0, 1, 1], [], []>, transpose_lhs_hint = false} : vector<256x32xf32>, vector<32x128xf32>, vector<256x128xf32> -> vector<256x128xf32>
    %add3A_1083 = vector.broadcast %broadcast_in_dim3A : vector<256x1xf32> to vector<256x128xf32>
    %add3A_1084 = arith.addf %add3A_1083, %dot_general3A_1082 : vector<256x128xf32>
    %get3A_1085 = arith.constant 0 : index
    %get3A_1086 = arith.constant 8064 : index
    %get3A_1087 = vector.load %arg6[%get3A_1085, %get3A_1086] : memref<1x8192xf32, #tpu.memory_space<vmem>>, vector<1x128xf32>
    %add3A_1088 = vector.broadcast %get3A_1087 : vector<1x128xf32> to vector<256x128xf32>
    %add3A_1089 = arith.addf %add3A_1084, %add3A_1088 : vector<256x128xf32>
    %lt3A_1090 = arith.cmpf olt, %add3A_1089, %select_n3A_1074 : vector<256x128xf32>
    %select_n3A_1091 = arith.select %lt3A_1090, %add3A_1089, %select_n3A_1074 : vector<256x128xi1>, vector<256x128xf32>
    %jit3A_1092 = arith.constant 63 : i32
    %broadcast_in_dim3A_1093 = vector.broadcast %jit3A_1092 : i32 to vector<256x128xi32>
    %select_n3A_1094 = arith.select %lt3A_1090, %broadcast_in_dim3A_1093, %select_n3A_1077 : vector<256x128xi1>, vector<256x128xi32>
    %iota3A = tpu.iota {dimensions = array<i32: 1>} : vector<256x128xi32>
    %mul3A_1095 = arith.constant 128 : i32
    %mul3A_1096 = vector.broadcast %mul3A_1095 : i32 to vector<256x128xi32>
    %mul3A_1097 = arith.muli %select_n3A_1094, %mul3A_1096 : vector<256x128xi32>
    %add3A_1098 = arith.addi %mul3A_1097, %iota3A : vector<256x128xi32>
    %reduce_min3A = arith.constant dense<0x7F800000> : vector<256xf32>
    %reduce_min3A_1099 = vector.multi_reduction <minimumf>, %select_n3A_1091, %reduce_min3A [1] : vector<256x128xf32> to vector<256xf32>
    %broadcast_in_dim3A_1100 = vector.shape_cast %reduce_min3A_1099 : vector<256xf32> to vector<256x1xf32>
    %eq3A_1101 = vector.broadcast %broadcast_in_dim3A_1100 : vector<256x1xf32> to vector<256x128xf32>
    %eq3A_1102 = arith.cmpf oeq, %select_n3A_1091, %eq3A_1101 : vector<256x128xf32>
    %jit3A_1103 = arith.constant 8192 : i32
    %broadcast_in_dim3A_1104 = vector.broadcast %jit3A_1103 : i32 to vector<256x128xi32>
    %select_n3A_1105 = arith.select %eq3A_1102, %add3A_1098, %broadcast_in_dim3A_1104 : vector<256x128xi1>, vector<256x128xi32>
    %reduce_min3A_1106 = arith.constant dense<2147483647> : vector<256xi32>
    %reduce_min3A_1107 = vector.multi_reduction <minsi>, %select_n3A_1105, %reduce_min3A_1106 [1] : vector<256x128xi32> to vector<256xi32>
    %broadcast_in_dim3A_1108 = vector.shape_cast %reduce_min3A_1107 : vector<256xi32> to vector<256x1xi32>
    %swap3A = arith.constant 0 : index
    %swap3A_1109 = arith.constant 0 : index
    %swap3A_1110 = vector.load %arg4[%swap3A, %swap3A_1109] : memref<256x1xi32, #tpu.memory_space<vmem>>, vector<256x1xi32>
    tpu.vector_store %arg4[%swap3A, %swap3A_1109], %broadcast_in_dim3A_1108 {strides = array<i32>} : memref<256x1xi32, #tpu.memory_space<vmem>>, vector<256x1xi32>,
    %mul3A_1111 = arith.constant 3.125000e-02 : f32
    %mul3A_1112 = vector.broadcast %mul3A_1111 : f32 to vector<256x1xf32>
    %mul3A_1113 = arith.mulf %broadcast_in_dim3A_1100, %mul3A_1112 : vector<256x1xf32>
    %swap3A_1114 = arith.constant 0 : index
    %swap3A_1115 = arith.constant 0 : index
    %swap3A_1116 = vector.load %arg5[%swap3A_1114, %swap3A_1115] : memref<256x1xf32, #tpu.memory_space<vmem>>, vector<256x1xf32>
    tpu.vector_store %arg5[%swap3A_1114, %swap3A_1115], %mul3A_1113 {strides = array<i32>} : memref<256x1xf32, #tpu.memory_space<vmem>>, vector<256x1xf32>,
    return
  }
  func.func @transform_0(%arg0: i32) -> (i32, i32) {
    %c0_i32 = arith.constant 0 : i32
    %c0_i32_0 = arith.constant 0 : i32
    return %arg0, %c0_i32 : i32, i32
  }
  func.func @transform_1(%arg0: i32) -> (i32, i32) {
    %c0_i32 = arith.constant 0 : i32
    %c0_i32_0 = arith.constant 0 : i32
    %c0_i32_1 = arith.constant 0 : i32
    return %c0_i32, %c0_i32_0 : i32, i32
  }
  func.func @transform_2(%arg0: i32) -> (i32, i32) {
    %c0_i32 = arith.constant 0 : i32
    %c0_i32_0 = arith.constant 0 : i32
    %c0_i32_1 = arith.constant 0 : i32
    return %c0_i32, %c0_i32_0 : i32, i32
  }
  func.func @transform_3(%arg0: i32) -> (i32, i32) {
    %c0_i32 = arith.constant 0 : i32
    %c0_i32_0 = arith.constant 0 : i32
    return %arg0, %c0_i32 : i32, i32
  }
  func.func @transform_4(%arg0: i32) -> (i32, i32) {
    %c0_i32 = arith.constant 0 : i32
    %c0_i32_0 = arith.constant 0 : i32
    return %arg0, %c0_i32 : i32, i32
  }
}

</mosaic_0001>

<sc_bundles>
// kernel: kernel.4.cloned.1.call-start
scs
__scs_entry_jumppad:
0x0: {  	(pc) =	sbr.rel $0x88, $3  }
0x1: {  	(tag) =	ssettag $0x0;
	lr =	simm.s32 $0x1  }
0x2: {  	[smem:$0x3F9F] =	sst lr;
	_ =	strace $0xD0000000  }
0x3: {  	_ = 	snop  }
0x4: {  	_ = 	snop  }
0x5: {  	_ = 	snop  }
0x6: {  	_ = 	snop  }
0x7: {  	_ = 	snop  }
__scs_overlays_trampoline_lowered:
0x8: {  	[smem:$0x3FAE] =	sst s0  }
0x9: {  	[smem:$0x3FAF] =	sst s1  }
0xa: {  	[smem:$0x3FB0] =	sst s2  }
0xb: {  	[smem:$0x3FB1] =	sst s3  }
0xc: {  	[smem:$0x3FB2] =	sst s4  }
0xd: {  	[smem:$0x3FB3] =	sst s5  }
0xe: {  	[smem:$0x3FB4] =	sst s6  }
0xf: {  	[smem:$0x3FB5] =	sst s7  }
0x10: {  	[smem:$0x3FB6] =	sst s8  }
0x11: {  	[smem:$0x3FB7] =	sst s9;
	s0 =	simm.s32 @!p0 $0x0  }
0x12: {  	s1 =	sld [smem:$0x3F9D];
	s0 =	simm.s32 @p0 $0x1  }
0x13: {  	[smem:$0x3FB8] =	sst s0;
	s0 =	simm.s32 @!p1 $0x0  }
0x14: {  	s2 =	sld [smem:$0x3F9C];
	s0 =	simm.s32 @p1 $0x1  }
0x15: {  	[smem:$0x3FB9] =	sst s0;
	s0 =	simm.s32 @!p2 $0x0  }
0x16: {  	s3 =	sld [smem:$0x3FDB];
	s0 =	simm.s32 @p2 $0x1  }
0x17: {  	s4 =	simm.s32 $0x1BF5;
	[smem:$0x3FBB] =	sst s0  }
0x18: {  	s0 =	sld [smem:$0x3F9E];
	_ =	swait.ge [sflag:s4], $0x0  }
0x19: {  	s7 =	sld [smem:$0x3F9F]  }
0x1a: {  	s8 =	sadd.s32 $0xFFFFE003, lr  }
0x1b: {  	s9 =	sadd.s32 $0xFFFFFEF7, lr;
	s5 =	simm.s32 $0xFFFFFFFF;
	p2 =	slt.u32 s8, $0xFFFFF086  }
0x1c: {  	p1 =	slt.u32 s9, $0xF7A;
	s5 =	simm.s32 @!p2 $0x0  }
0x1d: {  	s5 =	simm.s32 @p1 $0x1;
	p0 =	seq.s32 s7, s2  }
0x1e: {  	s7 =	smul.u32 @!p0 $0xF7A, s2;
	p2 =	seq.s32 @!p0 s5, $0x0  }
0x1f: {  	s9 =	smul.u32 $0xF7A, s1;
	s8 =	simm.s32 @!p0 $0x1BF5;
	p2 =	por !p2, p0  }
0x20: {  	[sflag:s8] =	ssyncset.s32 @!p0 $0xFFFFF086;
	s6 =	sadd.s32 @!p0 s3, s7;
	s7 =	simm.s32 @!p0 $0x108  }
0x21: {  	s3 =	sadd.s32 s3, s9;
	s6 =	sadd.s32 @!p0 $0x88, s6;
	s7 =	simm.s32 @p2 $0x1082  }
0x22: {  	[simem:s7], [sflag:s8] =	dma.local @!p0 [hbm:s6], $0xF7A  }
0x23: {  	s9 =	sor.u32 $0xD0000000, s2;
	s6 =	simm.s32 $0x108;
	_ =	swait.ge @!p0 [sflag:s8], $0x0  }
0x24: {  	s3 =	sadd.s32 $0x88, s3;
	s6 =	simm.s32 @!p1 $0x1082;
	[sflag:s4] =	ssyncset.s32 $0xFFFFF086  }
0x25: {  	[simem:s6], [sflag:s4] =	dma.local [hbm:s3], $0xF7A  }
0x26: {  	[smem:$0x3F9F] =	sst s1;
	(tag) =	ssettag s2;
	_ =	strace s9  }
0x27: {  	s1 =	sld [smem:$0x3FAF]  }
0x28: {  	s2 =	sld [smem:$0x3FB0]  }
0x29: {  	s4 =	sld [smem:$0x3FB2]  }
0x2a: {  	p0 =	seq.s32 s5, $0x0;
	s5 =	sld [smem:$0x3FB3]  }
0x2b: {  	s6 =	sld [smem:$0x3FB4]  }
0x2c: {  	s7 =	sld [smem:$0x3FB5]  }
0x2d: {  	s3 =	simm.s32 $0x108;
	s8 =	sld [smem:$0x3FB6]  }
0x2e: {  	s3 =	simm.s32 @!p0 $0x1082;
	s9 =	sld [smem:$0x3FB7]  }
0x2f: {  	lr =	sadd.s32 s0, s3;
	s0 =	sld [smem:$0x3FAE]  }
0x30: {  	s3 =	sld [smem:$0x3FB1]  }
0x31: {  	[smem:$0x3FBA] =	sst s10  }
0x32: {  	s10 =	sld [smem:$0x3FB8];
	_ =	sdelay $0x3  }
0x33: {  	p0 =	seq.s32 s10, $0x1;
	s10 =	sld [smem:$0x3FBA];
	_ =	sdelay $0x3  }
0x34: {  	[smem:$0x3FBA] =	sst s10  }
0x35: {  	s10 =	sld [smem:$0x3FB9];
	_ =	sdelay $0x3  }
0x36: {  	p1 =	seq.s32 s10, $0x1;
	s10 =	sld [smem:$0x3FBA];
	_ =	sdelay $0x3  }
0x37: {  	[smem:$0x3FBA] =	sst s10  }
0x38: {  	s10 =	sld [smem:$0x3FBB]  }
0x39: {  	_ = 	snop;
	(pc) =	sbr.ind lr, $3  }
0x3a: {  	_ = 	snop  }
0x3b: {  	_ = 	snop  }
0x3c: {  	p2 =	seq.s32 s10, $0x1;
	s10 =	sld [smem:$0x3FBA]  }
0x3d: {  	_ =	shalt  }
0x3e: {  	_ =	shalt  }
0x3f: {  	_ =	shalt  }
0x40: {  	_ =	shalt  }
0x41: {  	_ =	shalt  }
0x42: {  	_ =	shalt  }
0x43: {  	_ =	shalt  }
0x44: {  	_ =	shalt  }
0x45: {  	_ =	shalt  }
0x46: {  	_ =	shalt  }
0x47: {  	_ =	shalt  }
0x48: {  	_ =	shalt  }
0x49: {  	_ =	shalt  }
0x4a: {  	_ =	shalt  }
0x4b: {  	_ =	shalt  }
0x4c: {  	_ =	shalt  }
0x4d: {  	_ =	shalt  }
0x4e: {  	_ =	shalt  }
0x4f: {  	_ =	shalt  }
0x50: {  	_ =	shalt  }
0x51: {  	_ =	shalt  }
0x52: {  	_ =	shalt  }
0x53: {  	_ =	shalt  }
0x54: {  	_ =	shalt  }
0x55: {  	_ =	shalt  }
0x56: {  	_ =	shalt  }
0x57: {  	_ =	shalt  }
0x58: {  	_ =	shalt  }
0x59: {  	_ =	shalt  }
0x5a: {  	_ =	shalt  }
0x5b: {  	_ =	shalt  }
0x5c: {  	_ =	shalt  }
0x5d: {  	_ =	shalt  }
0x5e: {  	_ =	shalt  }
0x5f: {  	_ =	shalt  }
0x60: {  	_ =	shalt  }
0x61: {  	_ =	shalt  }
0x62: {  	_ =	shalt  }
0x63: {  	_ =	shalt  }
0x64: {  	_ =	shalt  }
0x65: {  	_ =	shalt  }
0x66: {  	_ =	shalt  }
0x67: {  	_ =	shalt  }
0x68: {  	_ =	shalt  }
0x69: {  	_ =	shalt  }
0x6a: {  	_ =	shalt  }
0x6b: {  	_ =	shalt  }
0x6c: {  	_ =	shalt  }
0x6d: {  	_ =	shalt  }
0x6e: {  	_ =	shalt  }
0x6f: {  	_ =	shalt  }
0x70: {  	_ =	shalt  }
0x71: {  	_ =	shalt  }
0x72: {  	_ =	shalt  }
0x73: {  	_ =	shalt  }
0x74: {  	_ =	shalt  }
0x75: {  	_ =	shalt  }
0x76: {  	_ =	shalt  }
0x77: {  	_ =	shalt  }
0x78: {  	_ =	shalt  }
0x79: {  	_ =	shalt  }
0x7a: {  	_ =	shalt  }
0x7b: {  	_ =	shalt  }
0x7c: {  	_ =	shalt  }
0x7d: {  	_ =	shalt  }
0x7e: {  	_ =	shalt  }
0x7f: {  	_ =	shalt  }
0x80: {  	_ =	shalt  }
0x81: {  	_ =	shalt  }
0x82: {  	_ =	shalt  }
0x83: {  	_ =	shalt  }
0x84: {  	_ =	shalt  }
0x85: {  	_ =	shalt  }
0x86: {  	_ =	shalt  }
0x87: {  	_ =	shalt  }
.Lfunc_end0:
.L_simem_size_0:
called_computation_lowered:
.L_overlay_start_0:
0x88: {  	s2 =	sld [smem:$0x3FD9]  }
0x89: {  	s3 =	sld [smem:$0x3FFE];
	_ =	sdelay $0x1  }
0x8a: {  	s1 =	srdreg.scid  }
0x8b: {  	s0 =	sand.u32 $0x1, s1  }
0x8c: {  	s14 =	sshll.u32 s0, $0xA;
	s2 =	sadd.s32 s3, s2  }
0x8d: {  	s2 =	sadd.s32 s2, s14  }
0x8e: {  	[smem:$0x3FC6] =	sst s2  }
0x8f: {  	_ = 	snop  }
0x90: {  	s2 =	sld [smem:$0x3FD0];
	_ =	sdelay $0x2  }
0x91: {  	s15 =	simm.s32 $0xA;
	s4 =	simm.s32 $0x10  }
0x92: {  	[smem:s4], [sflag:s15] =	dma.local [hbm:s2], $0x1  }
0x93: {  	_ =	swait.eq [sflag:s15], $0x1  }
0x94: {  	[sflag:s15] =	ssyncset.done $0x0  }
0x95: {  	[sflag:s15] =	ssyncadd.s32 $0xFFFFFFFF  }
0x96: {  	s16 =	sld [smem:$0x13];
	(tm) =	ssettm $0x1  }
0x97: {  	s17 =	sld [smem:$0x3FFB];
	_ =	sdelay $0x3  }
0x98: {  	_ =	strace s17  }
0x99: {  	s3 =	sld [smem:$0x3FFC];
	_ =	sdelay $0x3  }
0x9a: {  	_ =	strace s3  }
0x9b: {  	s3 =	sld [smem:$0x3FFD];
	_ =	sdelay $0x3  }
0x9c: {  	_ =	strace s3  }
0x9d: {  	_ =	strace $0x8FFFFFFF  }
0x9e: {  	s18 =	sld [smem:$0x3FDB];
	_ =	sdelay $0x1  }
0x9f: {  	s19 =	simm.s32 $_scs_section_size  }
0xa0: {  	s5 =	simm.s32 $_size__tile_overlayer_lowered;
	s6 =	simm.s32 $_tile_overlayer_lowered  }
0xa1: {  	s22 =	simm.s32 $0x1BFF;
	s21 =	sshll.u32 s6, $0x1;
	s3 =	sadd.s32 s19, s18  }
0xa2: {  	s7 =	simm.s32 $0x0;
	s20 =	sshll.u32 s5, $0x1;
	s5 =	sadd.s32 s21, s3  }
0xa3: {  	[timem:s7], [sflag:s22] =	dma.local [hbm:s5], s20  }
0xa4: {  	_ =	swait.ge [sflag:s22], s20  }
0xa5: {  	s4 =	ssub.s32 $0x0, s20;
	[sflag:s22] =	ssyncset.done $0x0  }
0xa6: {  	[sflag:s22] =	ssyncadd.s32 s4;
	_ =	sdelay $0x1  }
0xa7: {  	s23 =	simm.s32 $0x1B8B  }
0xa8: {  	_ =	swait.ge [sflag:s23], $0x1  }
0xa9: {  	[sflag:s23] =	ssyncset.done $0x0  }
0xaa: {  	s25 =	simm.s32 $0x1B8E;
	s24 =	sld [smem:$0x3FFE];
	[sflag:s23] =	ssyncadd.s32 $0xFFFFFFFF  }
0xab: {  	s26 =	simm.s32 $execute0_lowered;
	[smem:$0x3FD2] =	sst s25  }
0xac: {  	s5 =	sshll.u32 s26, $0x1;
	_ =	strace $0x80000046;
	[dreg:$0x1] =	wrdreg $0xFFFFFFFF  }
0xad: {  	s28 =	simm.s32 $_size_execute0_lowered;
	s3 =	sadd.s32 s3, s5;
	[dreg:$0x0] =	wrdreg $0x0  }
0xae: {  	s5 =	sshll.u32 s28, $0x1;
	[dreg:$0x2] =	wrdreg s3  }
0xaf: {  	[dreg:$0x3] =	wrdreg s5  }
0xb0: {  	[dreg:$0x4] =	wrdreg $0xC0  }
0xb1: {  	_ =	task [dreg:s7], $0x5FFFF  }
0xb2: {  	[dreg:$0x1] =	wrdreg $0xFFFFFFFF  }
0xb3: {  	[dreg:$0x0] =	wrdreg $0x60  }
0xb4: {  	[dreg:$0x2] =	wrdreg s24  }
0xb5: {  	[dreg:$0x3] =	wrdreg s16  }
0xb6: {  	[dreg:$0x4] =	wrdreg $0x9  }
0xb7: {  	_ =	task.clear_ibuf [dreg:s7], $0x5FFFF;
	_ =	strace $0x90000046  }
0xb8: {  	s29 =	simm.s32 $0x9;
	_ =	strace $0x8000004F  }
0xb9: {  	_ =	swait.ge [sflag:s29], $0x1  }
0xba: {  	[sflag:s29] =	ssyncadd.s32 $0xFFFFFFFF  }
0xbb: {  	_ =	strace $0x9000004F  }
0xbc: {  	_ =	sfence  }
0xbd: {  	s30 =	sld [smem:$0x0];
	_ =	sdelay $0x2  }
0xbe: {  	s31 =	sshll.u32 s1, $0xD;
	s1 =	sshrl.u32 s1, $0x2  }
0xbf: {  	s3 =	sand.u32 $0x4000, s31;
	s1 =	sadd.s32 s1, s30  }
0xc0: {  	s0 =	sor.u32 s3, s0;
	s1 =	sshll.u32 s1, $0x11  }
0xc1: {  	s0 =	sor.u32 s1, s0  }
0xc2: {  	s0 =	sadd.s32 $0x8F2B, s0  }
0xc3: {  	[sflag:s0] =	ssyncadd.remote.s32 $0x1  }
0xc4: {  	_ =	sfence.sel $0xFFFF  }
0xc5: {  	[dreg:$0x0] =	wrdreg $0xFFFFFFFF;
	(pc) =	sbr.abs _section_cstart, $3  }
0xc6: {  	[dreg:$0x1] =	wrdreg $0xFFFFFFFF  }
0xc7: {  	_ =	task.clear_ibuf [dreg:s7], $0x2FFFF;
	_ =	strace $0x9FFFFFFF  }
0xc8: {  	(tm) =	ssettm $0x7FFFFFFF  }
0xc9: {  	_ =	shalt  }
tec
execute0_lowered:
.L_overlay_start_1:
0x0: {  	(tag) =	ssettag $0x1  }
0x1: {  	s10 =	rddreg [dreg:$0x0];
	s1 =	srdreg.scid  }
0x2: {  	s3 =	rddreg [dreg:$0x1];
	s20 =	sand.u32 $0x1, s1  }
0x3: {  	s2 =	simm.s32 $0x0;
	s1 =	stileid.u32;
	s4 =	sshll.u32 s20, $0x4  }
0x4: {  	[smem:$0x7FF] =	sst s2;
	s11 =	sor.u32 s1, s4  }
0x5: {  	s0 =	rddreg [dreg:$0x2];
	_ =	strace $0x80000047;
	s4 =	sshll.u32 s11, $0x6  }
0x6: {  	_ =	strace $0x80000048;
	s3 =	sadd.s32 s3, s4  }
0x7: {  	[tilespmem:s2], [sflag:$0x1] =	stream.linear.gather [hbm4b:s3+s2], $0x80, $0x200038;
	[tilespmem:$0x8100] =	vst v63  }
0x8: {  	_ =	strace $0x90000048  }
0x9: {  	s5 =	simm.s32 $0x80;
	s4 =	sadd.s32 $0x10, s3;
	_ =	strace $0x80000049  }
0xa: {  	[tilespmem:s5], [sflag:$0x2] =	stream.linear.gather [hbm4b:s4+s2], $0x80, $0x200038;
	[tilespmem:$0x8100] =	vst v63  }
0xb: {  	_ =	strace $0x90000049  }
0xc: {  	s6 =	simm.s32 $0x1;
	_ =	strace $0x8000004A  }
0xd: {  	_ =	swait.ge [sflag:s6], $0x80  }
0xe: {  	[sflag:s6] =	ssyncset.done $0x0  }
0xf: {  	[sflag:s6] =	ssyncadd.s32 $0xFFFFFF80  }
0x10: {  	s8 =	simm.s32 $0x100;
	_ =	strace $0x9000004A  }
0x11: {  	s9 =	simm.s32 $0x5;
	s7 =	sadd.s32 $0x40200, s10;
	_ =	strace $0x8000004B  }
0x12: {  	[tilespmem:s8], [sflag:$0x5] =	stream.indirect.gather [hbm4b:s7+s5], $0x80, s2, s5, $0x2000b8;
	[tilespmem:$0x8100] =	vst v63  }
0x13: {  	_ =	swait.ge [sflag:s9], $0x4000  }
0x14: {  	[sflag:s9] =	ssyncset.done $0x0  }
0x15: {  	s11 =	sshll.u32 s11, $0xD;
	[sflag:s9] =	ssyncadd.s32 $0xFFFFC000  }
0x16: {  	s19 =	sadd.s32 s11, s10;
	_ =	strace $0x9000004B  }
0x17: {  	s10 =	sadd.s32 $0x200, s19;
	_ =	strace $0x8000004C  }
0x18: {  	[hbm4b:s10+s2] =	stream.linear.scatter [tilespmem:s8], [sflag:$0x3], $0x4000, $0x200038;
	[tilespmem:$0x8100] =	vst v63  }
0x19: {  	_ =	strace $0x9000004C  }
0x1a: {  	s11 =	sadd.s32 $0x20, s3;
	_ =	strace $0x80000049  }
0x1b: {  	[tilespmem:s2], [sflag:$0x1] =	stream.linear.gather [hbm4b:s11+s2], $0x80, $0x200038;
	[tilespmem:$0x8100] =	vst v63  }
0x1c: {  	_ =	strace $0x90000049  }
0x1d: {  	s12 =	simm.s32 $0x2;
	_ =	strace $0x8000004A  }
0x1e: {  	_ =	swait.ge [sflag:s12], $0x80  }
0x1f: {  	[sflag:s12] =	ssyncset.done $0x0  }
0x20: {  	[sflag:s12] =	ssyncadd.s32 $0xFFFFFF80  }
0x21: {  	_ =	strace $0x9000004A  }
0x22: {  	s13 =	simm.s32 $0x4100;
	_ =	strace $0x8000004B  }
0x23: {  	[tilespmem:s13], [sflag:$0x5] =	stream.indirect.gather [hbm4b:s7+s5], $0x80, s5, s5, $0x2000b8;
	[tilespmem:$0x8100] =	vst v63  }
0x24: {  	_ =	swait.ge [sflag:s9], $0x4000  }
0x25: {  	[sflag:s9] =	ssyncset.done $0x0  }
0x26: {  	[sflag:s9] =	ssyncadd.s32 $0xFFFFC000  }
0x27: {  	_ =	strace $0x9000004B  }
0x28: {  	s14 =	sadd.s32 $0xA00, s19;
	_ =	strace $0x8000004C  }
0x29: {  	[hbm4b:s14+s2] =	stream.linear.scatter [tilespmem:s13], [sflag:$0x4], $0x4000, $0x200038;
	[tilespmem:$0x8100] =	vst v63  }
0x2a: {  	_ =	strace $0x9000004C  }
0x2b: {  	s15 =	simm.s32 $0x3;
	_ =	strace $0x8000004D  }
0x2c: {  	_ =	swait.ge [sflag:s15], $0x4000  }
0x2d: {  	[sflag:s15] =	ssyncset.done $0x0  }
0x2e: {  	[sflag:s15] =	ssyncadd.s32 $0xFFFFC000  }
0x2f: {  	_ =	strace $0x9000004D  }
0x30: {  	s16 =	sadd.s32 $0x30, s3;
	_ =	strace $0x80000049  }
0x31: {  	[tilespmem:s5], [sflag:$0x2] =	stream.linear.gather [hbm4b:s16+s2], $0x80, $0x200038;
	[tilespmem:$0x8100] =	vst v63  }
0x32: {  	_ =	strace $0x90000049  }
0x33: {  	_ =	strace $0x8000004A  }
0x34: {  	_ =	swait.ge [sflag:s6], $0x80  }
0x35: {  	[sflag:s6] =	ssyncset.done $0x0  }
0x36: {  	[sflag:s6] =	ssyncadd.s32 $0xFFFFFF80  }
0x37: {  	_ =	strace $0x9000004A  }
0x38: {  	_ =	strace $0x8000004B  }
0x39: {  	[tilespmem:s8], [sflag:$0x5] =	stream.indirect.gather [hbm4b:s7+s5], $0x80, s2, s5, $0x2000b8;
	[tilespmem:$0x8100] =	vst v63  }
0x3a: {  	_ =	swait.ge [sflag:s9], $0x4000  }
0x3b: {  	[sflag:s9] =	ssyncset.done $0x0  }
0x3c: {  	[sflag:s9] =	ssyncadd.s32 $0xFFFFC000  }
0x3d: {  	_ =	strace $0x9000004B  }
0x3e: {  	s17 =	sadd.s32 $0x1200, s19;
	_ =	strace $0x8000004C  }
0x3f: {  	[hbm4b:s17+s2] =	stream.linear.scatter [tilespmem:s8], [sflag:$0x3], $0x4000, $0x200038;
	[tilespmem:$0x8100] =	vst v63  }
0x40: {  	_ =	strace $0x9000004C  }
0x41: {  	s18 =	simm.s32 $0x4;
	_ =	strace $0x8000004D  }
0x42: {  	_ =	swait.ge [sflag:s18], $0x4000  }
0x43: {  	[sflag:s18] =	ssyncset.done $0x0  }
0x44: {  	[sflag:s18] =	ssyncadd.s32 $0xFFFFC000  }
0x45: {  	_ =	strace $0x9000004D  }
0x46: {  	_ =	strace $0x8000004A  }
0x47: {  	_ =	swait.ge [sflag:s12], $0x80  }
0x48: {  	[sflag:s12] =	ssyncset.done $0x0  }
0x49: {  	[sflag:s12] =	ssyncadd.s32 $0xFFFFFF80  }
0x4a: {  	_ =	strace $0x9000004A  }
0x4b: {  	_ =	strace $0x8000004B  }
0x4c: {  	[tilespmem:s13], [sflag:$0x5] =	stream.indirect.gather [hbm4b:s7+s5], $0x80, s5, s5, $0x2000b8;
	[tilespmem:$0x8100] =	vst v63  }
0x4d: {  	_ =	swait.ge [sflag:s9], $0x4000  }
0x4e: {  	[sflag:s9] =	ssyncset.done $0x0  }
0x4f: {  	[sflag:s9] =	ssyncadd.s32 $0xFFFFC000  }
0x50: {  	_ =	strace $0x9000004B  }
0x51: {  	s19 =	sadd.s32 $0x1A00, s19;
	_ =	strace $0x8000004C  }
0x52: {  	[hbm4b:s19+s2] =	stream.linear.scatter [tilespmem:s13], [sflag:$0x4], $0x4000, $0x200038;
	[tilespmem:$0x8100] =	vst v63  }
0x53: {  	s20 =	ssub.s32 $0x2, s20;
	_ =	strace $0x9000004C  }
0x54: {  	s21 =	sshrl.u32 s20, $0x1;
	_ =	strace $0x8000004D  }
0x55: {  	s20 =	ssub.s32 s20, s21;
	_ =	swait.ge [sflag:s15], $0x4000  }
0x56: {  	s20 =	smax.u32 s20, $0x1;
	[sflag:s15] =	ssyncset.done $0x0  }
0x57: {  	p0 =	sne.s32 s20, $0x1;
	[sflag:s15] =	ssyncadd.s32 $0xFFFFC000  }
.Ltmp0:
0x58: {  	_ =	strace $0x9000004D;
	(pc) =	sbr.rel @!p0 .LBB2_2-.Ltmp0, $4  }
0x59: {  	_ =	strace $0x8000004E  }
0x5a: {  	_ =	swait.ge [sflag:s18], $0x4000  }
0x5b: {  	[sflag:s18] =	ssyncset.done $0x0  }
0x5c: {  	s20 =	sadd.s32 $0xFFFFFFFF, s20;
	[sflag:s18] =	ssyncadd.s32 $0xFFFFC000  }
.LBB2_1:
0x5d: {  	p0 =	sne.s32 s20, $0x1;
	s20 =	sadd.s32 $0xFFFFFFFF, s20;
	_ =	strace $0x9000004E  }
0x5e: {  	_ =	strace $0x80000048  }
0x5f: {  	[tilespmem:s2], [sflag:$0x1] =	stream.linear.gather [hbm4b:s3+s2], $0x80, $0x200038;
	[tilespmem:$0x8100] =	vst v63  }
0x60: {  	_ =	strace $0x90000048  }
0x61: {  	_ =	strace $0x80000049  }
0x62: {  	[tilespmem:s5], [sflag:$0x2] =	stream.linear.gather [hbm4b:s4+s2], $0x80, $0x200038;
	[tilespmem:$0x8100] =	vst v63  }
0x63: {  	_ =	strace $0x90000049  }
0x64: {  	_ =	strace $0x8000004A  }
0x65: {  	_ =	swait.ge [sflag:s6], $0x80  }
0x66: {  	[sflag:s6] =	ssyncset.done $0x0  }
0x67: {  	[sflag:s6] =	ssyncadd.s32 $0xFFFFFF80  }
0x68: {  	_ =	strace $0x9000004A  }
0x69: {  	_ =	strace $0x8000004B  }
0x6a: {  	[tilespmem:s8], [sflag:$0x5] =	stream.indirect.gather [hbm4b:s7+s5], $0x80, s2, s5, $0x2000b8;
	[tilespmem:$0x8100] =	vst v63  }
0x6b: {  	_ =	swait.ge [sflag:s9], $0x4000  }
0x6c: {  	[sflag:s9] =	ssyncset.done $0x0  }
0x6d: {  	[sflag:s9] =	ssyncadd.s32 $0xFFFFC000  }
0x6e: {  	_ =	strace $0x9000004B  }
0x6f: {  	_ =	strace $0x8000004C  }
0x70: {  	[hbm4b:s10+s2] =	stream.linear.scatter [tilespmem:s8], [sflag:$0x3], $0x4000, $0x200038;
	[tilespmem:$0x8100] =	vst v63  }
0x71: {  	_ =	strace $0x9000004C  }
0x72: {  	_ =	strace $0x80000049  }
0x73: {  	[tilespmem:s2], [sflag:$0x1] =	stream.linear.gather [hbm4b:s11+s2], $0x80, $0x200038;
	[tilespmem:$0x8100] =	vst v63  }
0x74: {  	_ =	strace $0x90000049  }
0x75: {  	_ =	strace $0x8000004A  }
0x76: {  	_ =	swait.ge [sflag:s12], $0x80  }
0x77: {  	[sflag:s12] =	ssyncset.done $0x0  }
0x78: {  	[sflag:s12] =	ssyncadd.s32 $0xFFFFFF80  }
0x79: {  	_ =	strace $0x9000004A  }
0x7a: {  	_ =	strace $0x8000004B  }
0x7b: {  	[tilespmem:s13], [sflag:$0x5] =	stream.indirect.gather [hbm4b:s7+s5], $0x80, s5, s5, $0x2000b8;
	[tilespmem:$0x8100] =	vst v63  }
0x7c: {  	_ =	swait.ge [sflag:s9], $0x4000  }
0x7d: {  	[sflag:s9] =	ssyncset.done $0x0  }
0x7e: {  	[sflag:s9] =	ssyncadd.s32 $0xFFFFC000  }
0x7f: {  	_ =	strace $0x9000004B  }
0x80: {  	_ =	strace $0x8000004C  }
0x81: {  	[hbm4b:s14+s2] =	stream.linear.scatter [tilespmem:s13], [sflag:$0x4], $0x4000, $0x200038;
	[tilespmem:$0x8100] =	vst v63  }
0x82: {  	_ =	strace $0x9000004C  }
0x83: {  	_ =	strace $0x8000004D  }
0x84: {  	_ =	swait.ge [sflag:s15], $0x4000  }
0x85: {  	[sflag:s15] =	ssyncset.done $0x0  }
0x86: {  	[sflag:s15] =	ssyncadd.s32 $0xFFFFC000  }
0x87: {  	_ =	strace $0x9000004D  }
0x88: {  	_ =	strace $0x80000049  }
0x89: {  	[tilespmem:s5], [sflag:$0x2] =	stream.linear.gather [hbm4b:s16+s2], $0x80, $0x200038;
	[tilespmem:$0x8100] =	vst v63  }
0x8a: {  	_ =	strace $0x90000049  }
0x8b: {  	_ =	strace $0x8000004A  }
0x8c: {  	_ =	swait.ge [sflag:s6], $0x80  }
0x8d: {  	[sflag:s6] =	ssyncset.done $0x0  }
0x8e: {  	[sflag:s6] =	ssyncadd.s32 $0xFFFFFF80  }
0x8f: {  	_ =	strace $0x9000004A  }
0x90: {  	_ =	strace $0x8000004B  }
0x91: {  	[tilespmem:s8], [sflag:$0x5] =	stream.indirect.gather [hbm4b:s7+s5], $0x80, s2, s5, $0x2000b8;
	[tilespmem:$0x8100] =	vst v63  }
0x92: {  	_ =	swait.ge [sflag:s9], $0x4000  }
0x93: {  	[sflag:s9] =	ssyncset.done $0x0  }
0x94: {  	[sflag:s9] =	ssyncadd.s32 $0xFFFFC000  }
0x95: {  	_ =	strace $0x9000004B  }
0x96: {  	_ =	strace $0x8000004C  }
0x97: {  	[hbm4b:s17+s2] =	stream.linear.scatter [tilespmem:s8], [sflag:$0x3], $0x4000, $0x200038;
	[tilespmem:$0x8100] =	vst v63  }
0x98: {  	_ =	strace $0x9000004C  }
0x99: {  	_ =	strace $0x8000004D  }
0x9a: {  	_ =	swait.ge [sflag:s18], $0x4000  }
0x9b: {  	[sflag:s18] =	ssyncset.done $0x0  }
0x9c: {  	[sflag:s18] =	ssyncadd.s32 $0xFFFFC000  }
0x9d: {  	_ =	strace $0x9000004D  }
0x9e: {  	_ =	strace $0x8000004A  }
0x9f: {  	_ =	swait.ge [sflag:s12], $0x80  }
0xa0: {  	[sflag:s12] =	ssyncset.done $0x0  }
0xa1: {  	[sflag:s12] =	ssyncadd.s32 $0xFFFFFF80  }
0xa2: {  	_ =	strace $0x9000004A  }
0xa3: {  	_ =	strace $0x8000004B  }
0xa4: {  	[tilespmem:s13], [sflag:$0x5] =	stream.indirect.gather [hbm4b:s7+s5], $0x80, s5, s5, $0x2000b8;
	[tilespmem:$0x8100] =	vst v63  }
0xa5: {  	_ =	swait.ge [sflag:s9], $0x4000  }
0xa6: {  	[sflag:s9] =	ssyncset.done $0x0  }
0xa7: {  	[sflag:s9] =	ssyncadd.s32 $0xFFFFC000  }
0xa8: {  	_ =	strace $0x9000004B  }
0xa9: {  	_ =	strace $0x8000004C  }
0xaa: {  	[hbm4b:s19+s2] =	stream.linear.scatter [tilespmem:s13], [sflag:$0x4], $0x4000, $0x200038;
	[tilespmem:$0x8100] =	vst v63  }
0xab: {  	_ =	strace $0x9000004C  }
0xac: {  	_ =	strace $0x8000004D  }
0xad: {  	_ =	swait.ge [sflag:s15], $0x4000  }
0xae: {  	[sflag:s15] =	ssyncset.done $0x0  }
0xaf: {  	[sflag:s15] =	ssyncadd.s32 $0xFFFFC000  }
.Ltmp1:
0xb0: {  	_ =	strace $0x9000004D;
	(pc) =	sbr.rel @p0 .LBB2_1-.Ltmp1, $4  }
0xb1: {  	_ =	strace $0x8000004E  }
0xb2: {  	_ =	swait.ge [sflag:s18], $0x4000  }
0xb3: {  	[sflag:s18] =	ssyncset.done $0x0  }
0xb4: {  	[sflag:s18] =	ssyncadd.s32 $0xFFFFC000  }
.LBB2_2:
0xb5: {  	_ =	strace $0x9000004E  }
0xb6: {  	_ =	sfence.sel $0x180000  }
0xb7: {  	[bflag:$0x0] =	sbarrier.arrive $0xFFFF  }
0xb8: {  	p0 =	sne.s32 s1, $0x0;
	_ =	strace $0x90000047  }
0xb9: {  	s0 =	sadd.s32 @!p0 $0x100000, s0;
	[bflag:$0x2] =	sbarrier.arrive $0xFFFF  }
0xba: {  	[sflag:s0] =	ssyncadd.tile.s32 @!p0 $0x1;
	_ =	shalt  }
.Lfunc_end2:
_tile_overlayer_lowered:
.L_overlay_start_2:
0xbb: {  	(tag) =	ssettag $0x2  }
0xbc: {  	s0 =	rddreg [dreg:$0x0];
	s2 =	stileid.u32  }
0xbd: {  	s1 =	rddreg [dreg:$0x1];
	p0 =	sne.s32 s2, $0x0  }
0xbe: {  	s3 =	rddreg [dreg:$0x2];
	[bflag:$0x3] =	sbarrier.arrive $0xFFFF;
	s2 =	simm.s32 @!p0 $0x1C01  }
0xbf: {  	[timem:s3], [sflag:s2] =	dma.local @!p0 [hbm:s0], s1  }
0xc0: {  	s0 =	simm.s32 @!p0 $0x1  }
0xc1: {  	_ =	swait.ge @!p0 [sflag:s0], s1  }
0xc2: {  	s1 =	ssub.s32 @!p0 $0x0, s1;
	[sflag:s0] =	ssyncset.done @!p0 $0x0  }
0xc3: {  	[sflag:s0] =	ssyncadd.s32 @!p0 s1  }
0xc4: {  	[bflag:$0x3] =	sbarrier.arrive $0xFFFF  }
0xc5: {  	_ =	shalt  }

</sc_bundles>
